<compile_context>
chip_gen: v7x
topology: tpu7x:2x2x1
jax: 0.10.2.dev20260603
libtpu: 0.0.44.dev20260713+nightly
codegen_flags: <defaults>
</compile_context>

<pallas_src>
import functools
from math import pi

import numpy as np
import jax
import jax.numpy as jnp
from jax import lax
from jax.experimental import pallas as pl
from jax.experimental.pallas import tpu as pltpu
from jax.experimental.pallas import tpu_sc as plsc

B, NV, NF = 2, 25000, 22500
NUM_COORS, DIM_COOR = 512, 64
NUM_ANGLE, DIM_ANGLE = 128, 16
NUM_AREA, DIM_AREA = 128, 16
NUM_NORM, DIM_NORM = 128, 64
NUM_EMNO, DIM_EMNO = 128, 16
NUM_EMANG, DIM_EMANG = 128, 64
NUM_EMFREQ, DIM_EMFREQ = 512, 16
EPS = 1e-5

FB = 1024
NBLK = -(-NF // FB)
NFP = NBLK * FB
ROWS = 3 * B * NFP
OUT_DIM = 1056


def _disc(t, lo, hi, n):
    t = (t - lo) / (hi - lo) * n - 0.5
    return jnp.clip(jnp.round(t), 0, n - 1).astype(jnp.int32)


def _l2norm(t, axis):
    nrm = jnp.sqrt(jnp.sum(t * t, axis=axis, keepdims=True))
    return t / jnp.maximum(nrm, 1e-12)


def _acos_bucket(x, th):
    cmp = (x <= th).astype(jnp.int32)
    return jnp.sum(cmp, axis=1, keepdims=True)


def _lookup(idx_col, table, n):
    oh = (lax.broadcasted_iota(jnp.int32, (idx_col.shape[0], n), 1)
          == idx_col).astype(jnp.bfloat16)
    return jnp.dot(oh, table, preferred_element_type=jnp.float32)


def _tc_body(g0, g1, g2, ivec_r, freq_r, thr_r, coor_t, angle_t, area_t,
             norm_t, emno_t, emang_t, emfreq_t, out_ref):
    thr = thr_r[...]
    v0 = g0[0, 0]
    v1 = g1[0, 0]
    v2 = g2[0, 0]
    c0 = v0[:, :3]
    c1 = v1[:, :3]
    c2 = v2[:, :3]

    e0 = c0 - c2
    e1 = c1 - c0
    e2 = c2 - c1

    n0 = _l2norm(e0, 1)
    n1 = _l2norm(e1, 1)
    n2 = _l2norm(e2, 1)

    def _rollc(t):
        return jnp.concatenate([t[:, 2:3], t[:, 0:2]], axis=1)

    normdot = -(n0 * _rollc(n0) + n1 * _rollc(n1) + n2 * _rollc(n2))
    normdot = jnp.clip(normdot, -1.0 + EPS, 1.0 - EPS)

    crx = e0[:, 1:2] * e1[:, 2:3] - e0[:, 2:3] * e1[:, 1:2]
    cry = e0[:, 2:3] * e1[:, 0:1] - e0[:, 0:1] * e1[:, 2:3]
    crz = e0[:, 0:1] * e1[:, 1:2] - e0[:, 1:2] * e1[:, 0:1]
    cr = jnp.concatenate([crx, cry, crz], axis=1)
    normals = _l2norm(cr, 1)
    area = jnp.sqrt(jnp.sum(cr * cr, axis=1, keepdims=True)) * 0.5

    iv = ivec_r[0]
    nv = _l2norm(iv, 0)
    ln = _l2norm(normals, 1)
    nd2 = -(ln[:, 0:1] * nv[0:1, :] + ln[:, 1:2] * nv[1:2, :]
            + ln[:, 2:3] * nv[2:3, :])
    nd2 = jnp.clip(nd2, -1.0 + EPS, 1.0 - EPS)

    parts = []
    for cc in (c0, c1, c2):
        for k in range(3):
            parts.append(_lookup(_disc(cc[:, k:k + 1], -1.0, 1.0, NUM_COORS),
                                 coor_t[...], NUM_COORS))
    for k in range(3):
        parts.append(_lookup(_acos_bucket(normdot[:, k:k + 1], thr),
                             angle_t[...], NUM_ANGLE))
    parts.append(_lookup(_disc(area, 0.0, 4.0, NUM_AREA), area_t[...],
                         NUM_AREA))
    d_nrm = _disc(normals, -1.0, 1.0, NUM_NORM)
    for k in range(3):
        parts.append(_lookup(d_nrm[:, k:k + 1], norm_t[...], NUM_NORM))
    parts.append(_lookup(_acos_bucket(nd2, thr), emno_t[...], NUM_EMNO))
    d_emang = _disc(iv, -1.0, 1.0, NUM_EMANG)
    oh_ang = (lax.broadcasted_iota(jnp.int32, (3, NUM_EMANG), 1)
              == d_emang).astype(jnp.bfloat16)
    emang_rows = jnp.dot(oh_ang, emang_t[...],
                         preferred_element_type=jnp.float32)
    for k in range(3):
        parts.append(jnp.broadcast_to(emang_rows[k:k + 1, :],
                                      (FB, DIM_EMANG)))
    d_fq = _disc(freq_r[0], 0.0, 1.0, NUM_EMFREQ)
    oh_fq = (lax.broadcasted_iota(jnp.int32, (1, NUM_EMFREQ), 1)
             == d_fq).astype(jnp.bfloat16)
    fq_row = jnp.dot(oh_fq, emfreq_t[...],
                     preferred_element_type=jnp.float32)
    parts.append(jnp.broadcast_to(fq_row, (FB, DIM_EMFREQ)))

    out_ref[0] = jnp.concatenate(parts, axis=1)


def _tc_call(gath, ivec3, freq3, thr, coor_t, angle_t, area_t, norm_t,
             emno_t, emang_t, emfreq_t):
    full = lambda shape: pl.BlockSpec(shape, lambda b, i: (0, 0))
    slot = lambda j: pl.BlockSpec((1, 1, FB, 16),
                                  lambda b, i, j=j: (j, b, i, 0))
    return pl.pallas_call(
        _tc_body,
        grid=(B, NBLK),
        in_specs=[
            slot(0), slot(1), slot(2),
            pl.BlockSpec((1, 3, 1), lambda b, i: (b, 0, 0)),
            pl.BlockSpec((1, 1, 1), lambda b, i: (b, 0, 0)),
            full((1, NUM_ANGLE - 1)),
            full((NUM_COORS, DIM_COOR)),
            full((NUM_ANGLE, DIM_ANGLE)),
            full((NUM_AREA, DIM_AREA)),
            full((NUM_NORM, DIM_NORM)),
            full((NUM_EMNO, DIM_EMNO)),
            full((NUM_EMANG, DIM_EMANG)),
            full((NUM_EMFREQ, DIM_EMFREQ)),
        ],
        out_specs=pl.BlockSpec((1, FB, OUT_DIM), lambda b, i: (b, i, 0)),
        out_shape=jax.ShapeDtypeStruct((B, NF, OUT_DIM), jnp.float32),
        compiler_params=pltpu.CompilerParams(
            dimension_semantics=("parallel", "parallel")),
    )(gath, gath, gath, ivec3, freq3, thr, coor_t, angle_t, area_t,
      norm_t, emno_t, emang_t, emfreq_t)


def _sc_gather(vtab, gidx):
    info = plsc.get_sparse_core_info()
    nw = info.num_cores * info.num_subcores
    rpw = ROWS // nw
    mesh = plsc.VectorSubcoreMesh(core_axis_name="c", subcore_axis_name="s")

    @functools.partial(
        pl.kernel, mesh=mesh,
        compiler_params=pltpu.CompilerParams(use_tc_tiling_on_sc=False),
        out_type=jax.ShapeDtypeStruct((ROWS, 16), jnp.float32),
        scratch_types=[
            pltpu.VMEM((rpw,), jnp.int32),
            pltpu.VMEM((rpw, 16), jnp.float32),
            pltpu.SemaphoreType.DMA,
        ],
    )
    def k(tab_hbm, idx_hbm, out_hbm, idx_v, rows_v, sem):
        wid = lax.axis_index("s") * info.num_cores + lax.axis_index("c")
        base = wid * rpw
        pltpu.sync_copy(idx_hbm.at[pl.ds(base, rpw)], idx_v)
        pltpu.async_copy(tab_hbm.at[idx_v], rows_v, sem).wait()
        pltpu.sync_copy(rows_v, out_hbm.at[pl.ds(base, rpw)])

    return k(vtab, gidx)


def kernel(vertices, faces, theta, phi, freq, coor_embed, angle_embed,
           area_embed, normal_embed, emnoangle_embed, emangle_embed,
           emfreq_embed):
    vtab = jnp.pad(vertices.reshape(B * NV, 3), ((0, 0), (0, 13)))
    fidx = faces + (jnp.arange(B, dtype=jnp.int32) * NV)[:, None, None]
    fidx = jnp.transpose(fidx, (2, 0, 1))
    fidx = jnp.pad(fidx, ((0, 0), (0, 0), (0, NFP - NF)))
    gath = _sc_gather(vtab, fidx.reshape(-1)).reshape(3, B, NFP, 16)

    th = jnp.deg2rad(theta)
    ph = jnp.deg2rad(phi)
    ivec = jnp.stack([jnp.sin(ph) * jnp.cos(th), jnp.sin(ph) * jnp.sin(th),
                      jnp.cos(ph)], axis=1)
    thr = jnp.asarray(np.cos(np.arange(1, NUM_ANGLE) * np.pi / NUM_ANGLE),
                      jnp.float32).reshape(1, NUM_ANGLE - 1)
    bf = jnp.bfloat16
    return _tc_call(gath, ivec.reshape(B, 3, 1), freq.reshape(B, 1, 1),
                    thr, coor_embed.astype(bf), angle_embed.astype(bf),
                    area_embed.astype(bf), normal_embed.astype(bf),
                    emnoangle_embed.astype(bf), emangle_embed.astype(bf),
                    emfreq_embed.astype(bf))

# --- scband reference (transcript-rebuilt; emitter-appended) ---
"""Pipeline reference for scband-mesh-autoencoder-46308337385612 (READ-ONLY COPY).

The authoritative reference and input builder live on the scoring server;
editing this copy changes nothing except your own understanding.
"""

import jax, jax.numpy as jnp
import numpy as np
from math import pi

B, NV, NF = 2, 25000, 22500
NUM_COORS, DIM_COOR = 512, 64
NUM_ANGLE, DIM_ANGLE = 128, 16
NUM_AREA, DIM_AREA = 128, 16
NUM_NORM, DIM_NORM = 128, 64
NUM_EMNO, DIM_EMNO = 128, 16
NUM_EMANG, DIM_EMANG = 128, 64
NUM_EMFREQ, DIM_EMFREQ = 512, 16
EPS = 1e-5

def l2norm(t):
    return t / jnp.clip(jnp.linalg.norm(t, axis=-1, keepdims=True), 1e-12, None)

def disc(t, lo, hi, n):
    t = jax.lax.stop_gradient(t)
    t = (t - lo) / (hi - lo) * n - 0.5
    return jnp.clip(jnp.round(t), 0, n - 1).astype(jnp.int32)

def setup_inputs(seed: int = 0):
    key = jax.random.key(seed)
    ks = jax.random.split(key, 16)
    vertices = jax.random.uniform(ks[0], (B, NV, 3), minval=-1.0, maxval=1.0, dtype=jnp.float32)
    faces = jax.random.randint(ks[1], (B, NF, 3), 0, NV, dtype=jnp.int32)
    theta = jax.random.uniform(ks[2], (B,), minval=0.0, maxval=360.0, dtype=jnp.float32)
    phi = jax.random.uniform(ks[3], (B,), minval=0.0, maxval=180.0, dtype=jnp.float32)
    freq = jax.random.uniform(ks[4], (B,), minval=0.0, maxval=1.0, dtype=jnp.float32)
    coor_embed = jax.random.normal(ks[5], (NUM_COORS, DIM_COOR), dtype=jnp.float32) * 0.02
    angle_embed = jax.random.normal(ks[6], (NUM_ANGLE, DIM_ANGLE), dtype=jnp.float32) * 0.02
    area_embed = jax.random.normal(ks[7], (NUM_AREA, DIM_AREA), dtype=jnp.float32) * 0.02
    normal_embed = jax.random.normal(ks[8], (NUM_NORM, DIM_NORM), dtype=jnp.float32) * 0.02
    emnoangle_embed = jax.random.normal(ks[9], (NUM_EMNO, DIM_EMNO), dtype=jnp.float32) * 0.02
    emangle_embed = jax.random.normal(ks[10], (NUM_EMANG, DIM_EMANG), dtype=jnp.float32) * 0.02
    emfreq_embed = jax.random.normal(ks[11], (NUM_EMFREQ, DIM_EMFREQ), dtype=jnp.float32) * 0.02
    return dict(vertices=vertices, faces=faces, theta=theta, phi=phi, freq=freq,
                coor_embed=coor_embed, angle_embed=angle_embed, area_embed=area_embed,
                normal_embed=normal_embed, emnoangle_embed=emnoangle_embed,
                emangle_embed=emangle_embed, emfreq_embed=emfreq_embed)

def reference(vertices, faces, theta, phi, freq, coor_embed, angle_embed, area_embed,
              normal_embed, emnoangle_embed, emangle_embed, emfreq_embed):
    # jxtget_face_coords: gather per-face vertex coordinates [B, NF, 3, 3]
    face_coords = jax.vmap(lambda v, f: v[f])(vertices, faces)
    # get_derived_face_featuresjxt (torch.no_grad in original)
    shifted = jnp.concatenate([face_coords[:, :, -1:], face_coords[:, :, :-1]], axis=2)
    edge_vec = face_coords - shifted
    # coords_interanglejxt2
    normv = l2norm(edge_vec)
    rolled = jnp.concatenate([normv[..., -1:], normv[..., :-1]], axis=-1)
    normdot = -(normv * rolled).sum(axis=2)
    normdot = jnp.clip(normdot, -1.0 + EPS, 1.0 - EPS)
    angles = jnp.arccos(normdot)  # [B, NF, 3]
    edge1 = edge_vec[:, :, 0]
    edge2 = edge_vec[:, :, 1]
    cr = jnp.cross(edge1, edge2)
    normals = l2norm(cr)  # [B, NF, 3]
    area = jnp.linalg.norm(cr, axis=-1, keepdims=True) * 0.5  # [B, NF, 1]
    # polar_to_cartesian2
    th = jnp.deg2rad(theta)
    ph = jnp.deg2rad(phi)
    ivec = jnp.stack([jnp.sin(ph) * jnp.cos(th), jnp.sin(ph) * jnp.sin(th), jnp.cos(ph)], axis=1)  # [B, 3]
    em_mtx = jnp.broadcast_to(ivec[:, None, :], (B, NF, 3))
    # vector_anglejxt2
    nd2 = -(l2norm(normals) * l2norm(em_mtx)).sum(axis=-1)
    nd2 = jnp.clip(nd2, -1.0 + EPS, 1.0 - EPS)
    emnoangle = jnp.arccos(nd2)  # [B, NF]
    emfreq_mtx = jnp.broadcast_to(freq[:, None, None], (B, NF, 1))
    # discretize + embed (encoder path)
    d_coor = disc(face_coords, -1.0, 1.0, NUM_COORS)
    d_angle = disc(angles, 0.0, pi, NUM_ANGLE)
    d_area = disc(area, 0.0, 4.0, NUM_AREA)
    d_norm = disc(normals, -1.0, 1.0, NUM_NORM)
    d_emno = disc(emnoangle, 0.0, pi, NUM_EMNO)
    d_emang = disc(em_mtx, -1.0, 1.0, NUM_EMANG)
    d_emfreq = disc(emfreq_mtx, 0.0, 1.0, NUM_EMFREQ)
    e_coor = jnp.take(coor_embed, d_coor, axis=0).reshape(B, NF, -1)
    e_angle = jnp.take(angle_embed, d_angle, axis=0).reshape(B, NF, -1)
    e_area = jnp.take(area_embed, d_area, axis=0).reshape(B, NF, -1)
    e_norm = jnp.take(normal_embed, d_norm, axis=0).reshape(B, NF, -1)
    e_emno = jnp.take(emnoangle_embed, d_emno, axis=0).reshape(B, NF, -1)
    e_emang = jnp.take(emangle_embed, d_emang, axis=0).reshape(B, NF, -1)
    e_emfreq = jnp.take(emfreq_embed, d_emfreq, axis=0).reshape(B, NF, -1)
    face_embed = jnp.concatenate([e_coor, e_angle, e_area, e_norm, e_emno, e_emang, e_emfreq], axis=-1)
    return face_embed  # [B, NF, 1056]

if __name__ == "__main__":
    import jax
    _d = setup_inputs()
    print(jax.jit(kernel)(*tuple(_d.values())))

</pallas_src>

<mosaic_0001>
#map = affine_map<(d0, d1) -> (0, 0)>
#map1 = affine_map<(d0, d1) -> (0)>
module attributes {stable_mosaic.version = 14 : i64} {
  func.func @k(%arg0: i32, %arg1: i32, %arg2: memref<50000x16xf32, #tpu.memory_space<hbm>>, %arg3: memref<135168xi32, #tpu.memory_space<hbm>>, %arg4: memref<135168x16xf32, #tpu.memory_space<hbm>>, %arg5: memref<4224xi32, #tpu.memory_space<vmem>>, %arg6: memref<4224x16xf32, #tpu.memory_space<vmem>>, %arg7: memref<!tpu.dma_semaphore, #tpu.memory_space<semaphore_mem>>) attributes {dimension_semantics = [#tpu.dimension_semantics<core_parallel>, #tpu.dimension_semantics<subcore_parallel>], iteration_bounds = array<i64: 2, 16>, scalar_prefetch = 0 : i64, scratch_operands = 3 : i64, tpu.core_type = #tpu.core_type<sc_vector_subcore>, window_params = [{transform_indices = #map}, {transform_indices = #map1}, {transform_indices = #map}]} {
    %mul3A = arith.constant 2 : i32
    %mul3A_0 = arith.muli %arg1, %mul3A : i32
    %add3A = arith.addi %mul3A_0, %arg0 : i32
    %mul3A_1 = arith.constant 4224 : i32
    %mul3A_2 = arith.muli %add3A, %mul3A_1 : i32
    "tpu.region"() ({
      %run_scoped3A = tpu.sem_alloc : memref<!tpu.dma_semaphore, #tpu.memory_space<semaphore_mem>>
      %dma_start3A_7 = tpu.memref_slice %arg3[%mul3A_2] : memref<135168xi32, #tpu.memory_space<hbm>> -> memref<4224xi32, #tpu.memory_space<hbm>>
      %dma_start3A_8 = tpu.memref_slice %arg3[%mul3A_2] : memref<135168xi32, #tpu.memory_space<hbm>> -> memref<4224xi32, #tpu.memory_space<hbm>>
      tpu.enqueue_dma source(%dma_start3A_8 : memref<4224xi32, #tpu.memory_space<hbm>>) target(%arg5 : memref<4224xi32, #tpu.memory_space<vmem>>) target_semaphore(%run_scoped3A : memref<!tpu.dma_semaphore, #tpu.memory_space<semaphore_mem>>)
      %dma_wait3A_9 = tpu.memref_slice %arg3[%mul3A_2] : memref<135168xi32, #tpu.memory_space<hbm>> -> memref<4224xi32, #tpu.memory_space<hbm>>
      %dma_wait3A_10 = tpu.memref_slice %arg3[%mul3A_2] : memref<135168xi32, #tpu.memory_space<hbm>> -> memref<4224xi32, #tpu.memory_space<hbm>>
      tpu.wait_dma2 semaphore(%run_scoped3A : memref<!tpu.dma_semaphore, #tpu.memory_space<semaphore_mem>>) src(%dma_wait3A_10 : memref<4224xi32, #tpu.memory_space<hbm>>) dst(%arg5 : memref<4224xi32, #tpu.memory_space<vmem>>)
      tpu.yield
    }) : () -> ()
    %dma_start3A = arith.constant 0 : i32
    %dma_start3A_3 = arith.constant 0 : i32
    %dma_start3A_4 = tpu.memref_slice %arg2[%dma_start3A, %dma_start3A_3] : memref<50000x16xf32, #tpu.memory_space<hbm>> -> memref<50000x16xf32, #tpu.memory_space<hbm>>
    tpu.enqueue_indirect_dma source(%dma_start3A_4 : memref<50000x16xf32, #tpu.memory_space<hbm>>) target(%arg6 : memref<4224x16xf32, #tpu.memory_space<vmem>>) offsets(%arg5 : memref<4224xi32, #tpu.memory_space<vmem>>) semaphore(%arg7 : memref<!tpu.dma_semaphore, #tpu.memory_space<semaphore_mem>>)
    %dma_wait3A = arith.constant 0 : i32
    %dma_wait3A_5 = arith.constant 0 : i32
    %dma_wait3A_6 = tpu.memref_slice %arg2[%dma_wait3A, %dma_wait3A_5] : memref<50000x16xf32, #tpu.memory_space<hbm>> -> memref<50000x16xf32, #tpu.memory_space<hbm>>
    tpu.wait_indirect_dma semaphore(%arg7 : memref<!tpu.dma_semaphore, #tpu.memory_space<semaphore_mem>>) src(%dma_wait3A_6 : memref<50000x16xf32, #tpu.memory_space<hbm>>) dst(%arg6 : memref<4224x16xf32, #tpu.memory_space<vmem>>)
    "tpu.region"() ({
      %run_scoped3A = tpu.sem_alloc : memref<!tpu.dma_semaphore, #tpu.memory_space<semaphore_mem>>
      %dma_start3A_7 = arith.constant 0 : i32
      %dma_start3A_8 = tpu.memref_slice %arg4[%mul3A_2, %dma_start3A_7] : memref<135168x16xf32, #tpu.memory_space<hbm>> -> memref<4224x16xf32, #tpu.memory_space<hbm>>
      %dma_start3A_9 = arith.constant 0 : i32
      %dma_start3A_10 = tpu.memref_slice %arg4[%mul3A_2, %dma_start3A_9] : memref<135168x16xf32, #tpu.memory_space<hbm>> -> memref<4224x16xf32, #tpu.memory_space<hbm>>
      tpu.enqueue_dma source(%arg6 : memref<4224x16xf32, #tpu.memory_space<vmem>>) target(%dma_start3A_10 : memref<4224x16xf32, #tpu.memory_space<hbm>>) target_semaphore(%run_scoped3A : memref<!tpu.dma_semaphore, #tpu.memory_space<semaphore_mem>>)
      %dma_wait3A_11 = arith.constant 0 : i32
      %dma_wait3A_12 = tpu.memref_slice %arg4[%mul3A_2, %dma_wait3A_11] : memref<135168x16xf32, #tpu.memory_space<hbm>> -> memref<4224x16xf32, #tpu.memory_space<hbm>>
      %dma_wait3A_13 = arith.constant 0 : i32
      %dma_wait3A_14 = tpu.memref_slice %arg4[%mul3A_2, %dma_wait3A_13] : memref<135168x16xf32, #tpu.memory_space<hbm>> -> memref<4224x16xf32, #tpu.memory_space<hbm>>
      tpu.wait_dma2 semaphore(%run_scoped3A : memref<!tpu.dma_semaphore, #tpu.memory_space<semaphore_mem>>) src(%arg6 : memref<4224x16xf32, #tpu.memory_space<vmem>>) dst(%dma_wait3A_14 : memref<4224x16xf32, #tpu.memory_space<hbm>>)
      tpu.yield
    }) : () -> ()
    return
  }
}

module attributes {stable_mosaic.version = 14 : i64} {
  func.func @_tc_body(%arg0: i32, %arg1: i32, %arg2: memref<1x1x1024x16xf32, #tpu.memory_space<vmem>>, %arg3: memref<1x1x1024x16xf32, #tpu.memory_space<vmem>>, %arg4: memref<1x1x1024x16xf32, #tpu.memory_space<vmem>>, %arg5: memref<1x3x1xf32, #tpu.memory_space<vmem>>, %arg6: memref<1x1x1xf32, #tpu.memory_space<vmem>>, %arg7: memref<1x127xf32, #tpu.memory_space<vmem>>, %arg8: memref<512x64xbf16, #tpu.memory_space<vmem>>, %arg9: memref<128x16xbf16, #tpu.memory_space<vmem>>, %arg10: memref<128x16xbf16, #tpu.memory_space<vmem>>, %arg11: memref<128x64xbf16, #tpu.memory_space<vmem>>, %arg12: memref<128x16xbf16, #tpu.memory_space<vmem>>, %arg13: memref<128x64xbf16, #tpu.memory_space<vmem>>, %arg14: memref<512x16xbf16, #tpu.memory_space<vmem>>, %arg15: memref<1x1024x1056xf32, #tpu.memory_space<vmem>>) attributes {dimension_semantics = [#tpu.dimension_semantics<parallel>, #tpu.dimension_semantics<parallel>], iteration_bounds = array<i64: 2, 22>, scalar_prefetch = 0 : i64, scratch_operands = 0 : i64, tpu.core_type = #tpu.core_type<tc>, window_params = [{transform_indices = @transform_0, window_bounds = array<i64: 1, 1, 1024, 16>}, {transform_indices = @transform_1, window_bounds = array<i64: 1, 1, 1024, 16>}, {transform_indices = @transform_2, window_bounds = array<i64: 1, 1, 1024, 16>}, {transform_indices = @transform_3, window_bounds = array<i64: 1, 3, 1>}, {transform_indices = @transform_4, window_bounds = array<i64: 1, 1, 1>}, {pipeline_mode = #tpu.pipeline_mode<synchronous>, transform_indices = @transform_5, window_bounds = array<i64: 1, 127>}, {pipeline_mode = #tpu.pipeline_mode<synchronous>, transform_indices = @transform_6, window_bounds = array<i64: 512, 64>}, {pipeline_mode = #tpu.pipeline_mode<synchronous>, transform_indices = @transform_7, window_bounds = array<i64: 128, 16>}, {pipeline_mode = #tpu.pipeline_mode<synchronous>, transform_indices = @transform_8, window_bounds = array<i64: 128, 16>}, {pipeline_mode = #tpu.pipeline_mode<synchronous>, transform_indices = @transform_9, window_bounds = array<i64: 128, 64>}, {pipeline_mode = #tpu.pipeline_mode<synchronous>, transform_indices = @transform_10, window_bounds = array<i64: 128, 16>}, {pipeline_mode = #tpu.pipeline_mode<synchronous>, transform_indices = @transform_11, window_bounds = array<i64: 128, 64>}, {pipeline_mode = #tpu.pipeline_mode<synchronous>, transform_indices = @transform_12, window_bounds = array<i64: 512, 16>}, {transform_indices = @transform_13, window_bounds = array<i64: 1, 1024, 1056>}]} {
    %get3A = arith.constant 0 : index
    %get3A_0 = arith.constant 0 : index
    %get3A_1 = vector.load %arg7[%get3A, %get3A_0] : memref<1x127xf32, #tpu.memory_space<vmem>>, vector<1x127xf32>
    %get3A_2 = arith.constant 0 : index
    %get3A_3 = arith.constant 0 : index
    %get3A_4 = arith.constant 0 : index
    %get3A_5 = arith.constant 0 : index
    %get3A_6 = vector.load %arg2[%get3A_2, %get3A_3, %get3A_4, %get3A_5] : memref<1x1x1024x16xf32, #tpu.memory_space<vmem>>, vector<1x1x1024x16xf32>
    %get3A_7 = vector.shape_cast %get3A_6 : vector<1x1x1024x16xf32> to vector<1024x16xf32>
    %get3A_8 = arith.constant 0 : index
    %get3A_9 = arith.constant 0 : index
    %get3A_10 = arith.constant 0 : index
    %get3A_11 = arith.constant 0 : index
    %get3A_12 = vector.load %arg3[%get3A_8, %get3A_9, %get3A_10, %get3A_11] : memref<1x1x1024x16xf32, #tpu.memory_space<vmem>>, vector<1x1x1024x16xf32>
    %get3A_13 = vector.shape_cast %get3A_12 : vector<1x1x1024x16xf32> to vector<1024x16xf32>
    %get3A_14 = arith.constant 0 : index
    %get3A_15 = arith.constant 0 : index
    %get3A_16 = arith.constant 0 : index
    %get3A_17 = arith.constant 0 : index
    %get3A_18 = vector.load %arg4[%get3A_14, %get3A_15, %get3A_16, %get3A_17] : memref<1x1x1024x16xf32, #tpu.memory_space<vmem>>, vector<1x1x1024x16xf32>
    %get3A_19 = vector.shape_cast %get3A_18 : vector<1x1x1024x16xf32> to vector<1024x16xf32>
    %slice3A = vector.extract_strided_slice %get3A_7 {offsets = [0, 0], sizes = [1024, 3], strides = [1, 1]} : vector<1024x16xf32> to vector<1024x3xf32>
    %slice3A_20 = vector.extract_strided_slice %get3A_13 {offsets = [0, 0], sizes = [1024, 3], strides = [1, 1]} : vector<1024x16xf32> to vector<1024x3xf32>
    %slice3A_21 = vector.extract_strided_slice %get3A_19 {offsets = [0, 0], sizes = [1024, 3], strides = [1, 1]} : vector<1024x16xf32> to vector<1024x3xf32>
    %sub3A = arith.subf %slice3A, %slice3A_21 : vector<1024x3xf32>
    %sub3A_22 = arith.subf %slice3A_20, %slice3A : vector<1024x3xf32>
    %sub3A_23 = arith.subf %slice3A_21, %slice3A_20 : vector<1024x3xf32>
    %mul3A = arith.mulf %sub3A, %sub3A : vector<1024x3xf32>
    %reduce_sum3A = arith.constant dense<0.000000e+00> : vector<1024xf32>
    %reduce_sum3A_24 = vector.multi_reduction <add>, %mul3A, %reduce_sum3A [1] : vector<1024x3xf32> to vector<1024xf32>
    %broadcast_in_dim3A = vector.shape_cast %reduce_sum3A_24 : vector<1024xf32> to vector<1024x1xf32>
    %sqrt3A = math.sqrt %broadcast_in_dim3A : vector<1024x1xf32>
    %max3A = arith.constant 9.99999996E-13 : f32
    %max3A_25 = vector.broadcast %max3A : f32 to vector<1024x1xf32>
    %max3A_26 = arith.maximumf %sqrt3A, %max3A_25 : vector<1024x1xf32>
    %div3A = vector.broadcast %max3A_26 : vector<1024x1xf32> to vector<1024x3xf32>
    %div3A_27 = arith.divf %sub3A, %div3A : vector<1024x3xf32>
    %mul3A_28 = arith.mulf %sub3A_22, %sub3A_22 : vector<1024x3xf32>
    %reduce_sum3A_29 = arith.constant dense<0.000000e+00> : vector<1024xf32>
    %reduce_sum3A_30 = vector.multi_reduction <add>, %mul3A_28, %reduce_sum3A_29 [1] : vector<1024x3xf32> to vector<1024xf32>
    %broadcast_in_dim3A_31 = vector.shape_cast %reduce_sum3A_30 : vector<1024xf32> to vector<1024x1xf32>
    %sqrt3A_32 = math.sqrt %broadcast_in_dim3A_31 : vector<1024x1xf32>
    %max3A_33 = arith.constant 9.99999996E-13 : f32
    %max3A_34 = vector.broadcast %max3A_33 : f32 to vector<1024x1xf32>
    %max3A_35 = arith.maximumf %sqrt3A_32, %max3A_34 : vector<1024x1xf32>
    %div3A_36 = vector.broadcast %max3A_35 : vector<1024x1xf32> to vector<1024x3xf32>
    %div3A_37 = arith.divf %sub3A_22, %div3A_36 : vector<1024x3xf32>
    %mul3A_38 = arith.mulf %sub3A_23, %sub3A_23 : vector<1024x3xf32>
    %reduce_sum3A_39 = arith.constant dense<0.000000e+00> : vector<1024xf32>
    %reduce_sum3A_40 = vector.multi_reduction <add>, %mul3A_38, %reduce_sum3A_39 [1] : vector<1024x3xf32> to vector<1024xf32>
    %broadcast_in_dim3A_41 = vector.shape_cast %reduce_sum3A_40 : vector<1024xf32> to vector<1024x1xf32>
    %sqrt3A_42 = math.sqrt %broadcast_in_dim3A_41 : vector<1024x1xf32>
    %max3A_43 = arith.constant 9.99999996E-13 : f32
    %max3A_44 = vector.broadcast %max3A_43 : f32 to vector<1024x1xf32>
    %max3A_45 = arith.maximumf %sqrt3A_42, %max3A_44 : vector<1024x1xf32>
    %div3A_46 = vector.broadcast %max3A_45 : vector<1024x1xf32> to vector<1024x3xf32>
    %div3A_47 = arith.divf %sub3A_23, %div3A_46 : vector<1024x3xf32>
    %slice3A_48 = vector.extract_strided_slice %div3A_27 {offsets = [0, 2], sizes = [1024, 1], strides = [1, 1]} : vector<1024x3xf32> to vector<1024x1xf32>
    %slice3A_49 = vector.extract_strided_slice %div3A_27 {offsets = [0, 0], sizes = [1024, 2], strides = [1, 1]} : vector<1024x3xf32> to vector<1024x2xf32>
    %concatenate3A = tpu.concatenate %slice3A_48, %slice3A_49 in 1 : vector<1024x1xf32>, vector<1024x2xf32> -> vector<1024x3xf32>
    %mul3A_50 = arith.mulf %div3A_27, %concatenate3A : vector<1024x3xf32>
    %slice3A_51 = vector.extract_strided_slice %div3A_37 {offsets = [0, 2], sizes = [1024, 1], strides = [1, 1]} : vector<1024x3xf32> to vector<1024x1xf32>
    %slice3A_52 = vector.extract_strided_slice %div3A_37 {offsets = [0, 0], sizes = [1024, 2], strides = [1, 1]} : vector<1024x3xf32> to vector<1024x2xf32>
    %concatenate3A_53 = tpu.concatenate %slice3A_51, %slice3A_52 in 1 : vector<1024x1xf32>, vector<1024x2xf32> -> vector<1024x3xf32>
    %mul3A_54 = arith.mulf %div3A_37, %concatenate3A_53 : vector<1024x3xf32>
    %add3A = arith.addf %mul3A_50, %mul3A_54 : vector<1024x3xf32>
    %slice3A_55 = vector.extract_strided_slice %div3A_47 {offsets = [0, 2], sizes = [1024, 1], strides = [1, 1]} : vector<1024x3xf32> to vector<1024x1xf32>
    %slice3A_56 = vector.extract_strided_slice %div3A_47 {offsets = [0, 0], sizes = [1024, 2], strides = [1, 1]} : vector<1024x3xf32> to vector<1024x2xf32>
    %concatenate3A_57 = tpu.concatenate %slice3A_55, %slice3A_56 in 1 : vector<1024x1xf32>, vector<1024x2xf32> -> vector<1024x3xf32>
    %mul3A_58 = arith.mulf %div3A_47, %concatenate3A_57 : vector<1024x3xf32>
    %add3A_59 = arith.addf %add3A, %mul3A_58 : vector<1024x3xf32>
    %neg3A = arith.constant 0.000000e+00 : f32
    %neg3A_60 = vector.broadcast %neg3A : f32 to vector<1024x3xf32>
    %neg3A_61 = arith.subf %neg3A_60, %add3A_59 : vector<1024x3xf32>
    %jit3A = arith.constant -0.999989986 : f32
    %jit3A_62 = arith.constant 0.999989986 : f32
    %max3A_63 = vector.broadcast %jit3A : f32 to vector<1024x3xf32>
    %max3A_64 = arith.maximumf %max3A_63, %neg3A_61 : vector<1024x3xf32>
    %min3A = vector.broadcast %jit3A_62 : f32 to vector<1024x3xf32>
    %min3A_65 = arith.minimumf %min3A, %max3A_64 : vector<1024x3xf32>
    %slice3A_66 = vector.extract_strided_slice %sub3A {offsets = [0, 1], sizes = [1024, 1], strides = [1, 1]} : vector<1024x3xf32> to vector<1024x1xf32>
    %slice3A_67 = vector.extract_strided_slice %sub3A_22 {offsets = [0, 2], sizes = [1024, 1], strides = [1, 1]} : vector<1024x3xf32> to vector<1024x1xf32>
    %mul3A_68 = arith.mulf %slice3A_66, %slice3A_67 : vector<1024x1xf32>
    %slice3A_69 = vector.extract_strided_slice %sub3A {offsets = [0, 2], sizes = [1024, 1], strides = [1, 1]} : vector<1024x3xf32> to vector<1024x1xf32>
    %slice3A_70 = vector.extract_strided_slice %sub3A_22 {offsets = [0, 1], sizes = [1024, 1], strides = [1, 1]} : vector<1024x3xf32> to vector<1024x1xf32>
    %mul3A_71 = arith.mulf %slice3A_69, %slice3A_70 : vector<1024x1xf32>
    %sub3A_72 = arith.subf %mul3A_68, %mul3A_71 : vector<1024x1xf32>
    %slice3A_73 = vector.extract_strided_slice %sub3A {offsets = [0, 2], sizes = [1024, 1], strides = [1, 1]} : vector<1024x3xf32> to vector<1024x1xf32>
    %slice3A_74 = vector.extract_strided_slice %sub3A_22 {offsets = [0, 0], sizes = [1024, 1], strides = [1, 1]} : vector<1024x3xf32> to vector<1024x1xf32>
    %mul3A_75 = arith.mulf %slice3A_73, %slice3A_74 : vector<1024x1xf32>
    %slice3A_76 = vector.extract_strided_slice %sub3A {offsets = [0, 0], sizes = [1024, 1], strides = [1, 1]} : vector<1024x3xf32> to vector<1024x1xf32>
    %slice3A_77 = vector.extract_strided_slice %sub3A_22 {offsets = [0, 2], sizes = [1024, 1], strides = [1, 1]} : vector<1024x3xf32> to vector<1024x1xf32>
    %mul3A_78 = arith.mulf %slice3A_76, %slice3A_77 : vector<1024x1xf32>
    %sub3A_79 = arith.subf %mul3A_75, %mul3A_78 : vector<1024x1xf32>
    %slice3A_80 = vector.extract_strided_slice %sub3A {offsets = [0, 0], sizes = [1024, 1], strides = [1, 1]} : vector<1024x3xf32> to vector<1024x1xf32>
    %slice3A_81 = vector.extract_strided_slice %sub3A_22 {offsets = [0, 1], sizes = [1024, 1], strides = [1, 1]} : vector<1024x3xf32> to vector<1024x1xf32>
    %mul3A_82 = arith.mulf %slice3A_80, %slice3A_81 : vector<1024x1xf32>
    %slice3A_83 = vector.extract_strided_slice %sub3A {offsets = [0, 1], sizes = [1024, 1], strides = [1, 1]} : vector<1024x3xf32> to vector<1024x1xf32>
    %slice3A_84 = vector.extract_strided_slice %sub3A_22 {offsets = [0, 0], sizes = [1024, 1], strides = [1, 1]} : vector<1024x3xf32> to vector<1024x1xf32>
    %mul3A_85 = arith.mulf %slice3A_83, %slice3A_84 : vector<1024x1xf32>
    %sub3A_86 = arith.subf %mul3A_82, %mul3A_85 : vector<1024x1xf32>
    %concatenate3A_87 = tpu.concatenate %sub3A_72, %sub3A_79, %sub3A_86 in 1 : vector<1024x1xf32>, vector<1024x1xf32>, vector<1024x1xf32> -> vector<1024x3xf32>
    %mul3A_88 = arith.mulf %concatenate3A_87, %concatenate3A_87 : vector<1024x3xf32>
    %reduce_sum3A_89 = arith.constant dense<0.000000e+00> : vector<1024xf32>
    %reduce_sum3A_90 = vector.multi_reduction <add>, %mul3A_88, %reduce_sum3A_89 [1] : vector<1024x3xf32> to vector<1024xf32>
    %broadcast_in_dim3A_91 = vector.shape_cast %reduce_sum3A_90 : vector<1024xf32> to vector<1024x1xf32>
    %sqrt3A_92 = math.sqrt %broadcast_in_dim3A_91 : vector<1024x1xf32>
    %max3A_93 = arith.constant 9.99999996E-13 : f32
    %max3A_94 = vector.broadcast %max3A_93 : f32 to vector<1024x1xf32>
    %max3A_95 = arith.maximumf %sqrt3A_92, %max3A_94 : vector<1024x1xf32>
    %div3A_96 = vector.broadcast %max3A_95 : vector<1024x1xf32> to vector<1024x3xf32>
    %div3A_97 = arith.divf %concatenate3A_87, %div3A_96 : vector<1024x3xf32>
    %mul3A_98 = arith.mulf %concatenate3A_87, %concatenate3A_87 : vector<1024x3xf32>
    %reduce_sum3A_99 = arith.constant dense<0.000000e+00> : vector<1024xf32>
    %reduce_sum3A_100 = vector.multi_reduction <add>, %mul3A_98, %reduce_sum3A_99 [1] : vector<1024x3xf32> to vector<1024xf32>
    %broadcast_in_dim3A_101 = vector.shape_cast %reduce_sum3A_100 : vector<1024xf32> to vector<1024x1xf32>
    %sqrt3A_102 = math.sqrt %broadcast_in_dim3A_101 : vector<1024x1xf32>
    %mul3A_103 = arith.constant 5.000000e-01 : f32
    %mul3A_104 = vector.broadcast %mul3A_103 : f32 to vector<1024x1xf32>
    %mul3A_105 = arith.mulf %sqrt3A_102, %mul3A_104 : vector<1024x1xf32>
    %get3A_106 = arith.constant 0 : index
    %get3A_107 = arith.constant 0 : index
    %get3A_108 = arith.constant 0 : index
    %get3A_109 = vector.load %arg5[%get3A_106, %get3A_107, %get3A_108] : memref<1x3x1xf32, #tpu.memory_space<vmem>>, vector<1x3x1xf32>
    %get3A_110 = vector.shape_cast %get3A_109 : vector<1x3x1xf32> to vector<3x1xf32>
    %mul3A_111 = arith.mulf %get3A_110, %get3A_110 : vector<3x1xf32>
    %reduce_sum3A_112 = arith.constant dense<0.000000e+00> : vector<1xf32>
    %reduce_sum3A_113 = vector.multi_reduction <add>, %mul3A_111, %reduce_sum3A_112 [0] : vector<3x1xf32> to vector<1xf32>
    %broadcast_in_dim3A_114 = vector.shape_cast %reduce_sum3A_113 : vector<1xf32> to vector<1x1xf32>
    %sqrt3A_115 = math.sqrt %broadcast_in_dim3A_114 : vector<1x1xf32>
    %max3A_116 = arith.constant 9.99999996E-13 : f32
    %max3A_117 = vector.broadcast %max3A_116 : f32 to vector<1x1xf32>
    %max3A_118 = arith.maximumf %sqrt3A_115, %max3A_117 : vector<1x1xf32>
    %div3A_119 = vector.broadcast %max3A_118 : vector<1x1xf32> to vector<3x1xf32>
    %div3A_120 = arith.divf %get3A_110, %div3A_119 : vector<3x1xf32>
    %mul3A_121 = arith.mulf %div3A_97, %div3A_97 : vector<1024x3xf32>
    %reduce_sum3A_122 = arith.constant dense<0.000000e+00> : vector<1024xf32>
    %reduce_sum3A_123 = vector.multi_reduction <add>, %mul3A_121, %reduce_sum3A_122 [1] : vector<1024x3xf32> to vector<1024xf32>
    %broadcast_in_dim3A_124 = vector.shape_cast %reduce_sum3A_123 : vector<1024xf32> to vector<1024x1xf32>
    %sqrt3A_125 = math.sqrt %broadcast_in_dim3A_124 : vector<1024x1xf32>
    %max3A_126 = arith.constant 9.99999996E-13 : f32
    %max3A_127 = vector.broadcast %max3A_126 : f32 to vector<1024x1xf32>
    %max3A_128 = arith.maximumf %sqrt3A_125, %max3A_127 : vector<1024x1xf32>
    %div3A_129 = vector.broadcast %max3A_128 : vector<1024x1xf32> to vector<1024x3xf32>
    %div3A_130 = arith.divf %div3A_97, %div3A_129 : vector<1024x3xf32>
    %slice3A_131 = vector.extract_strided_slice %div3A_130 {offsets = [0, 0], sizes = [1024, 1], strides = [1, 1]} : vector<1024x3xf32> to vector<1024x1xf32>
    %slice3A_132 = vector.extract_strided_slice %div3A_120 {offsets = [0, 0], sizes = [1, 1], strides = [1, 1]} : vector<3x1xf32> to vector<1x1xf32>
    %mul3A_133 = vector.broadcast %slice3A_132 : vector<1x1xf32> to vector<1024x1xf32>
    %mul3A_134 = arith.mulf %slice3A_131, %mul3A_133 : vector<1024x1xf32>
    %slice3A_135 = vector.extract_strided_slice %div3A_130 {offsets = [0, 1], sizes = [1024, 1], strides = [1, 1]} : vector<1024x3xf32> to vector<1024x1xf32>
    %slice3A_136 = vector.extract_strided_slice %div3A_120 {offsets = [1, 0], sizes = [1, 1], strides = [1, 1]} : vector<3x1xf32> to vector<1x1xf32>
    %mul3A_137 = vector.broadcast %slice3A_136 : vector<1x1xf32> to vector<1024x1xf32>
    %mul3A_138 = arith.mulf %slice3A_135, %mul3A_137 : vector<1024x1xf32>
    %add3A_139 = arith.addf %mul3A_134, %mul3A_138 : vector<1024x1xf32>
    %slice3A_140 = vector.extract_strided_slice %div3A_130 {offsets = [0, 2], sizes = [1024, 1], strides = [1, 1]} : vector<1024x3xf32> to vector<1024x1xf32>
    %slice3A_141 = vector.extract_strided_slice %div3A_120 {offsets = [2, 0], sizes = [1, 1], strides = [1, 1]} : vector<3x1xf32> to vector<1x1xf32>
    %mul3A_142 = vector.broadcast %slice3A_141 : vector<1x1xf32> to vector<1024x1xf32>
    %mul3A_143 = arith.mulf %slice3A_140, %mul3A_142 : vector<1024x1xf32>
    %add3A_144 = arith.addf %add3A_139, %mul3A_143 : vector<1024x1xf32>
    %neg3A_145 = arith.constant 0.000000e+00 : f32
    %neg3A_146 = vector.broadcast %neg3A_145 : f32 to vector<1024x1xf32>
    %neg3A_147 = arith.subf %neg3A_146, %add3A_144 : vector<1024x1xf32>
    %jit3A_148 = arith.constant -0.999989986 : f32
    %jit3A_149 = arith.constant 0.999989986 : f32
    %max3A_150 = vector.broadcast %jit3A_148 : f32 to vector<1024x1xf32>
    %max3A_151 = arith.maximumf %max3A_150, %neg3A_147 : vector<1024x1xf32>
    %min3A_152 = vector.broadcast %jit3A_149 : f32 to vector<1024x1xf32>
    %min3A_153 = arith.minimumf %min3A_152, %max3A_151 : vector<1024x1xf32>
    %slice3A_154 = vector.extract_strided_slice %slice3A {offsets = [0, 0], sizes = [1024, 1], strides = [1, 1]} : vector<1024x3xf32> to vector<1024x1xf32>
    %sub3A_155 = arith.constant -1.000000e+00 : f32
    %sub3A_156 = vector.broadcast %sub3A_155 : f32 to vector<1024x1xf32>
    %sub3A_157 = arith.subf %slice3A_154, %sub3A_156 : vector<1024x1xf32>
    %div3A_158 = arith.constant 2.000000e+00 : f32
    %div3A_159 = vector.broadcast %div3A_158 : f32 to vector<1024x1xf32>
    %div3A_160 = arith.divf %sub3A_157, %div3A_159 : vector<1024x1xf32>
    %mul3A_161 = arith.constant 5.120000e+02 : f32
    %mul3A_162 = vector.broadcast %mul3A_161 : f32 to vector<1024x1xf32>
    %mul3A_163 = arith.mulf %div3A_160, %mul3A_162 : vector<1024x1xf32>
    %sub3A_164 = arith.constant 5.000000e-01 : f32
    %sub3A_165 = vector.broadcast %sub3A_164 : f32 to vector<1024x1xf32>
    %sub3A_166 = arith.subf %mul3A_163, %sub3A_165 : vector<1024x1xf32>
    %round3A = math.roundeven %sub3A_166 : vector<1024x1xf32>
    %jit3A_167 = arith.constant 0 : i32
    %jit3A_168 = arith.constant 511 : i32
    %convert_element_type3A = arith.sitofp %jit3A_167 : i32 to f32
    %max3A_169 = vector.broadcast %convert_element_type3A : f32 to vector<1024x1xf32>
    %max3A_170 = arith.maximumf %max3A_169, %round3A : vector<1024x1xf32>
    %convert_element_type3A_171 = arith.sitofp %jit3A_168 : i32 to f32
    %min3A_172 = vector.broadcast %convert_element_type3A_171 : f32 to vector<1024x1xf32>
    %min3A_173 = arith.minimumf %min3A_172, %max3A_170 : vector<1024x1xf32>
    %convert_element_type3A_174 = arith.fptosi %min3A_173 : vector<1024x1xf32> to vector<1024x1xi32>
    %get3A_175 = arith.constant 0 : index
    %get3A_176 = arith.constant 0 : index
    %get3A_177 = vector.load %arg8[%get3A_175, %get3A_176] : memref<512x64xbf16, #tpu.memory_space<vmem>>, vector<512x64xbf16>
    %iota3A = tpu.iota {dimensions = array<i32: 1>} : vector<1024x512xi32>
    %eq3A = vector.broadcast %convert_element_type3A_174 : vector<1024x1xi32> to vector<1024x512xi32>
    %eq3A_178 = arith.cmpi eq, %iota3A, %eq3A : vector<1024x512xi32>
    %convert_element_type3A_179 = arith.extui %eq3A_178 : vector<1024x512xi1> to vector<1024x512xi32>
    %convert_element_type3A_180 = arith.sitofp %convert_element_type3A_179 : vector<1024x512xi32> to vector<1024x512xf32>
    %convert_element_type3A_181 = arith.truncf %convert_element_type3A_180 : vector<1024x512xf32> to vector<1024x512xbf16>
    %dot_general3A = arith.constant dense<0.000000e+00> : vector<1024x64xf32>
    %dot_general3A_182 = tpu.matmul %convert_element_type3A_181, %get3A_177, %dot_general3A {dimension_numbers = #tpu.dot_dimension_numbers<[1], [0], [0], [1], [0, 0, 1, 1], [], []>, transpose_lhs_hint = false} : vector<1024x512xbf16>, vector<512x64xbf16>, vector<1024x64xf32> -> vector<1024x64xf32>
    %slice3A_183 = vector.extract_strided_slice %slice3A {offsets = [0, 1], sizes = [1024, 1], strides = [1, 1]} : vector<1024x3xf32> to vector<1024x1xf32>
    %sub3A_184 = arith.constant -1.000000e+00 : f32
    %sub3A_185 = vector.broadcast %sub3A_184 : f32 to vector<1024x1xf32>
    %sub3A_186 = arith.subf %slice3A_183, %sub3A_185 : vector<1024x1xf32>
    %div3A_187 = arith.constant 2.000000e+00 : f32
    %div3A_188 = vector.broadcast %div3A_187 : f32 to vector<1024x1xf32>
    %div3A_189 = arith.divf %sub3A_186, %div3A_188 : vector<1024x1xf32>
    %mul3A_190 = arith.constant 5.120000e+02 : f32
    %mul3A_191 = vector.broadcast %mul3A_190 : f32 to vector<1024x1xf32>
    %mul3A_192 = arith.mulf %div3A_189, %mul3A_191 : vector<1024x1xf32>
    %sub3A_193 = arith.constant 5.000000e-01 : f32
    %sub3A_194 = vector.broadcast %sub3A_193 : f32 to vector<1024x1xf32>
    %sub3A_195 = arith.subf %mul3A_192, %sub3A_194 : vector<1024x1xf32>
    %round3A_196 = math.roundeven %sub3A_195 : vector<1024x1xf32>
    %jit3A_197 = arith.constant 0 : i32
    %jit3A_198 = arith.constant 511 : i32
    %convert_element_type3A_199 = arith.sitofp %jit3A_197 : i32 to f32
    %max3A_200 = vector.broadcast %convert_element_type3A_199 : f32 to vector<1024x1xf32>
    %max3A_201 = arith.maximumf %max3A_200, %round3A_196 : vector<1024x1xf32>
    %convert_element_type3A_202 = arith.sitofp %jit3A_198 : i32 to f32
    %min3A_203 = vector.broadcast %convert_element_type3A_202 : f32 to vector<1024x1xf32>
    %min3A_204 = arith.minimumf %min3A_203, %max3A_201 : vector<1024x1xf32>
    %convert_element_type3A_205 = arith.fptosi %min3A_204 : vector<1024x1xf32> to vector<1024x1xi32>
    %get3A_206 = arith.constant 0 : index
    %get3A_207 = arith.constant 0 : index
    %get3A_208 = vector.load %arg8[%get3A_206, %get3A_207] : memref<512x64xbf16, #tpu.memory_space<vmem>>, vector<512x64xbf16>
    %iota3A_209 = tpu.iota {dimensions = array<i32: 1>} : vector<1024x512xi32>
    %eq3A_210 = vector.broadcast %convert_element_type3A_205 : vector<1024x1xi32> to vector<1024x512xi32>
    %eq3A_211 = arith.cmpi eq, %iota3A_209, %eq3A_210 : vector<1024x512xi32>
    %convert_element_type3A_212 = arith.extui %eq3A_211 : vector<1024x512xi1> to vector<1024x512xi32>
    %convert_element_type3A_213 = arith.sitofp %convert_element_type3A_212 : vector<1024x512xi32> to vector<1024x512xf32>
    %convert_element_type3A_214 = arith.truncf %convert_element_type3A_213 : vector<1024x512xf32> to vector<1024x512xbf16>
    %dot_general3A_215 = arith.constant dense<0.000000e+00> : vector<1024x64xf32>
    %dot_general3A_216 = tpu.matmul %convert_element_type3A_214, %get3A_208, %dot_general3A_215 {dimension_numbers = #tpu.dot_dimension_numbers<[1], [0], [0], [1], [0, 0, 1, 1], [], []>, transpose_lhs_hint = false} : vector<1024x512xbf16>, vector<512x64xbf16>, vector<1024x64xf32> -> vector<1024x64xf32>
    %slice3A_217 = vector.extract_strided_slice %slice3A {offsets = [0, 2], sizes = [1024, 1], strides = [1, 1]} : vector<1024x3xf32> to vector<1024x1xf32>
    %sub3A_218 = arith.constant -1.000000e+00 : f32
    %sub3A_219 = vector.broadcast %sub3A_218 : f32 to vector<1024x1xf32>
    %sub3A_220 = arith.subf %slice3A_217, %sub3A_219 : vector<1024x1xf32>
    %div3A_221 = arith.constant 2.000000e+00 : f32
    %div3A_222 = vector.broadcast %div3A_221 : f32 to vector<1024x1xf32>
    %div3A_223 = arith.divf %sub3A_220, %div3A_222 : vector<1024x1xf32>
    %mul3A_224 = arith.constant 5.120000e+02 : f32
    %mul3A_225 = vector.broadcast %mul3A_224 : f32 to vector<1024x1xf32>
    %mul3A_226 = arith.mulf %div3A_223, %mul3A_225 : vector<1024x1xf32>
    %sub3A_227 = arith.constant 5.000000e-01 : f32
    %sub3A_228 = vector.broadcast %sub3A_227 : f32 to vector<1024x1xf32>
    %sub3A_229 = arith.subf %mul3A_226, %sub3A_228 : vector<1024x1xf32>
    %round3A_230 = math.roundeven %sub3A_229 : vector<1024x1xf32>
    %jit3A_231 = arith.constant 0 : i32
    %jit3A_232 = arith.constant 511 : i32
    %convert_element_type3A_233 = arith.sitofp %jit3A_231 : i32 to f32
    %max3A_234 = vector.broadcast %convert_element_type3A_233 : f32 to vector<1024x1xf32>
    %max3A_235 = arith.maximumf %max3A_234, %round3A_230 : vector<1024x1xf32>
    %convert_element_type3A_236 = arith.sitofp %jit3A_232 : i32 to f32
    %min3A_237 = vector.broadcast %convert_element_type3A_236 : f32 to vector<1024x1xf32>
    %min3A_238 = arith.minimumf %min3A_237, %max3A_235 : vector<1024x1xf32>
    %convert_element_type3A_239 = arith.fptosi %min3A_238 : vector<1024x1xf32> to vector<1024x1xi32>
    %get3A_240 = arith.constant 0 : index
    %get3A_241 = arith.constant 0 : index
    %get3A_242 = vector.load %arg8[%get3A_240, %get3A_241] : memref<512x64xbf16, #tpu.memory_space<vmem>>, vector<512x64xbf16>
    %iota3A_243 = tpu.iota {dimensions = array<i32: 1>} : vector<1024x512xi32>
    %eq3A_244 = vector.broadcast %convert_element_type3A_239 : vector<1024x1xi32> to vector<1024x512xi32>
    %eq3A_245 = arith.cmpi eq, %iota3A_243, %eq3A_244 : vector<1024x512xi32>
    %convert_element_type3A_246 = arith.extui %eq3A_245 : vector<1024x512xi1> to vector<1024x512xi32>
    %convert_element_type3A_247 = arith.sitofp %convert_element_type3A_246 : vector<1024x512xi32> to vector<1024x512xf32>
    %convert_element_type3A_248 = arith.truncf %convert_element_type3A_247 : vector<1024x512xf32> to vector<1024x512xbf16>
    %dot_general3A_249 = arith.constant dense<0.000000e+00> : vector<1024x64xf32>
    %dot_general3A_250 = tpu.matmul %convert_element_type3A_248, %get3A_242, %dot_general3A_249 {dimension_numbers = #tpu.dot_dimension_numbers<[1], [0], [0], [1], [0, 0, 1, 1], [], []>, transpose_lhs_hint = false} : vector<1024x512xbf16>, vector<512x64xbf16>, vector<1024x64xf32> -> vector<1024x64xf32>
    %slice3A_251 = vector.extract_strided_slice %slice3A_20 {offsets = [0, 0], sizes = [1024, 1], strides = [1, 1]} : vector<1024x3xf32> to vector<1024x1xf32>
    %sub3A_252 = arith.constant -1.000000e+00 : f32
    %sub3A_253 = vector.broadcast %sub3A_252 : f32 to vector<1024x1xf32>
    %sub3A_254 = arith.subf %slice3A_251, %sub3A_253 : vector<1024x1xf32>
    %div3A_255 = arith.constant 2.000000e+00 : f32
    %div3A_256 = vector.broadcast %div3A_255 : f32 to vector<1024x1xf32>
    %div3A_257 = arith.divf %sub3A_254, %div3A_256 : vector<1024x1xf32>
    %mul3A_258 = arith.constant 5.120000e+02 : f32
    %mul3A_259 = vector.broadcast %mul3A_258 : f32 to vector<1024x1xf32>
    %mul3A_260 = arith.mulf %div3A_257, %mul3A_259 : vector<1024x1xf32>
    %sub3A_261 = arith.constant 5.000000e-01 : f32
    %sub3A_262 = vector.broadcast %sub3A_261 : f32 to vector<1024x1xf32>
    %sub3A_263 = arith.subf %mul3A_260, %sub3A_262 : vector<1024x1xf32>
    %round3A_264 = math.roundeven %sub3A_263 : vector<1024x1xf32>
    %jit3A_265 = arith.constant 0 : i32
    %jit3A_266 = arith.constant 511 : i32
    %convert_element_type3A_267 = arith.sitofp %jit3A_265 : i32 to f32
    %max3A_268 = vector.broadcast %convert_element_type3A_267 : f32 to vector<1024x1xf32>
    %max3A_269 = arith.maximumf %max3A_268, %round3A_264 : vector<1024x1xf32>
    %convert_element_type3A_270 = arith.sitofp %jit3A_266 : i32 to f32
    %min3A_271 = vector.broadcast %convert_element_type3A_270 : f32 to vector<1024x1xf32>
    %min3A_272 = arith.minimumf %min3A_271, %max3A_269 : vector<1024x1xf32>
    %convert_element_type3A_273 = arith.fptosi %min3A_272 : vector<1024x1xf32> to vector<1024x1xi32>
    %get3A_274 = arith.constant 0 : index
    %get3A_275 = arith.constant 0 : index
    %get3A_276 = vector.load %arg8[%get3A_274, %get3A_275] : memref<512x64xbf16, #tpu.memory_space<vmem>>, vector<512x64xbf16>
    %iota3A_277 = tpu.iota {dimensions = array<i32: 1>} : vector<1024x512xi32>
    %eq3A_278 = vector.broadcast %convert_element_type3A_273 : vector<1024x1xi32> to vector<1024x512xi32>
    %eq3A_279 = arith.cmpi eq, %iota3A_277, %eq3A_278 : vector<1024x512xi32>
    %convert_element_type3A_280 = arith.extui %eq3A_279 : vector<1024x512xi1> to vector<1024x512xi32>
    %convert_element_type3A_281 = arith.sitofp %convert_element_type3A_280 : vector<1024x512xi32> to vector<1024x512xf32>
    %convert_element_type3A_282 = arith.truncf %convert_element_type3A_281 : vector<1024x512xf32> to vector<1024x512xbf16>
    %dot_general3A_283 = arith.constant dense<0.000000e+00> : vector<1024x64xf32>
    %dot_general3A_284 = tpu.matmul %convert_element_type3A_282, %get3A_276, %dot_general3A_283 {dimension_numbers = #tpu.dot_dimension_numbers<[1], [0], [0], [1], [0, 0, 1, 1], [], []>, transpose_lhs_hint = false} : vector<1024x512xbf16>, vector<512x64xbf16>, vector<1024x64xf32> -> vector<1024x64xf32>
    %slice3A_285 = vector.extract_strided_slice %slice3A_20 {offsets = [0, 1], sizes = [1024, 1], strides = [1, 1]} : vector<1024x3xf32> to vector<1024x1xf32>
    %sub3A_286 = arith.constant -1.000000e+00 : f32
    %sub3A_287 = vector.broadcast %sub3A_286 : f32 to vector<1024x1xf32>
    %sub3A_288 = arith.subf %slice3A_285, %sub3A_287 : vector<1024x1xf32>
    %div3A_289 = arith.constant 2.000000e+00 : f32
    %div3A_290 = vector.broadcast %div3A_289 : f32 to vector<1024x1xf32>
    %div3A_291 = arith.divf %sub3A_288, %div3A_290 : vector<1024x1xf32>
    %mul3A_292 = arith.constant 5.120000e+02 : f32
    %mul3A_293 = vector.broadcast %mul3A_292 : f32 to vector<1024x1xf32>
    %mul3A_294 = arith.mulf %div3A_291, %mul3A_293 : vector<1024x1xf32>
    %sub3A_295 = arith.constant 5.000000e-01 : f32
    %sub3A_296 = vector.broadcast %sub3A_295 : f32 to vector<1024x1xf32>
    %sub3A_297 = arith.subf %mul3A_294, %sub3A_296 : vector<1024x1xf32>
    %round3A_298 = math.roundeven %sub3A_297 : vector<1024x1xf32>
    %jit3A_299 = arith.constant 0 : i32
    %jit3A_300 = arith.constant 511 : i32
    %convert_element_type3A_301 = arith.sitofp %jit3A_299 : i32 to f32
    %max3A_302 = vector.broadcast %convert_element_type3A_301 : f32 to vector<1024x1xf32>
    %max3A_303 = arith.maximumf %max3A_302, %round3A_298 : vector<1024x1xf32>
    %convert_element_type3A_304 = arith.sitofp %jit3A_300 : i32 to f32
    %min3A_305 = vector.broadcast %convert_element_type3A_304 : f32 to vector<1024x1xf32>
    %min3A_306 = arith.minimumf %min3A_305, %max3A_303 : vector<1024x1xf32>
    %convert_element_type3A_307 = arith.fptosi %min3A_306 : vector<1024x1xf32> to vector<1024x1xi32>
    %get3A_308 = arith.constant 0 : index
    %get3A_309 = arith.constant 0 : index
    %get3A_310 = vector.load %arg8[%get3A_308, %get3A_309] : memref<512x64xbf16, #tpu.memory_space<vmem>>, vector<512x64xbf16>
    %iota3A_311 = tpu.iota {dimensions = array<i32: 1>} : vector<1024x512xi32>
    %eq3A_312 = vector.broadcast %convert_element_type3A_307 : vector<1024x1xi32> to vector<1024x512xi32>
    %eq3A_313 = arith.cmpi eq, %iota3A_311, %eq3A_312 : vector<1024x512xi32>
    %convert_element_type3A_314 = arith.extui %eq3A_313 : vector<1024x512xi1> to vector<1024x512xi32>
    %convert_element_type3A_315 = arith.sitofp %convert_element_type3A_314 : vector<1024x512xi32> to vector<1024x512xf32>
    %convert_element_type3A_316 = arith.truncf %convert_element_type3A_315 : vector<1024x512xf32> to vector<1024x512xbf16>
    %dot_general3A_317 = arith.constant dense<0.000000e+00> : vector<1024x64xf32>
    %dot_general3A_318 = tpu.matmul %convert_element_type3A_316, %get3A_310, %dot_general3A_317 {dimension_numbers = #tpu.dot_dimension_numbers<[1], [0], [0], [1], [0, 0, 1, 1], [], []>, transpose_lhs_hint = false} : vector<1024x512xbf16>, vector<512x64xbf16>, vector<1024x64xf32> -> vector<1024x64xf32>
    %slice3A_319 = vector.extract_strided_slice %slice3A_20 {offsets = [0, 2], sizes = [1024, 1], strides = [1, 1]} : vector<1024x3xf32> to vector<1024x1xf32>
    %sub3A_320 = arith.constant -1.000000e+00 : f32
    %sub3A_321 = vector.broadcast %sub3A_320 : f32 to vector<1024x1xf32>
    %sub3A_322 = arith.subf %slice3A_319, %sub3A_321 : vector<1024x1xf32>
    %div3A_323 = arith.constant 2.000000e+00 : f32
    %div3A_324 = vector.broadcast %div3A_323 : f32 to vector<1024x1xf32>
    %div3A_325 = arith.divf %sub3A_322, %div3A_324 : vector<1024x1xf32>
    %mul3A_326 = arith.constant 5.120000e+02 : f32
    %mul3A_327 = vector.broadcast %mul3A_326 : f32 to vector<1024x1xf32>
    %mul3A_328 = arith.mulf %div3A_325, %mul3A_327 : vector<1024x1xf32>
    %sub3A_329 = arith.constant 5.000000e-01 : f32
    %sub3A_330 = vector.broadcast %sub3A_329 : f32 to vector<1024x1xf32>
    %sub3A_331 = arith.subf %mul3A_328, %sub3A_330 : vector<1024x1xf32>
    %round3A_332 = math.roundeven %sub3A_331 : vector<1024x1xf32>
    %jit3A_333 = arith.constant 0 : i32
    %jit3A_334 = arith.constant 511 : i32
    %convert_element_type3A_335 = arith.sitofp %jit3A_333 : i32 to f32
    %max3A_336 = vector.broadcast %convert_element_type3A_335 : f32 to vector<1024x1xf32>
    %max3A_337 = arith.maximumf %max3A_336, %round3A_332 : vector<1024x1xf32>
    %convert_element_type3A_338 = arith.sitofp %jit3A_334 : i32 to f32
    %min3A_339 = vector.broadcast %convert_element_type3A_338 : f32 to vector<1024x1xf32>
    %min3A_340 = arith.minimumf %min3A_339, %max3A_337 : vector<1024x1xf32>
    %convert_element_type3A_341 = arith.fptosi %min3A_340 : vector<1024x1xf32> to vector<1024x1xi32>
    %get3A_342 = arith.constant 0 : index
    %get3A_343 = arith.constant 0 : index
    %get3A_344 = vector.load %arg8[%get3A_342, %get3A_343] : memref<512x64xbf16, #tpu.memory_space<vmem>>, vector<512x64xbf16>
    %iota3A_345 = tpu.iota {dimensions = array<i32: 1>} : vector<1024x512xi32>
    %eq3A_346 = vector.broadcast %convert_element_type3A_341 : vector<1024x1xi32> to vector<1024x512xi32>
    %eq3A_347 = arith.cmpi eq, %iota3A_345, %eq3A_346 : vector<1024x512xi32>
    %convert_element_type3A_348 = arith.extui %eq3A_347 : vector<1024x512xi1> to vector<1024x512xi32>
    %convert_element_type3A_349 = arith.sitofp %convert_element_type3A_348 : vector<1024x512xi32> to vector<1024x512xf32>
    %convert_element_type3A_350 = arith.truncf %convert_element_type3A_349 : vector<1024x512xf32> to vector<1024x512xbf16>
    %dot_general3A_351 = arith.constant dense<0.000000e+00> : vector<1024x64xf32>
    %dot_general3A_352 = tpu.matmul %convert_element_type3A_350, %get3A_344, %dot_general3A_351 {dimension_numbers = #tpu.dot_dimension_numbers<[1], [0], [0], [1], [0, 0, 1, 1], [], []>, transpose_lhs_hint = false} : vector<1024x512xbf16>, vector<512x64xbf16>, vector<1024x64xf32> -> vector<1024x64xf32>
    %slice3A_353 = vector.extract_strided_slice %slice3A_21 {offsets = [0, 0], sizes = [1024, 1], strides = [1, 1]} : vector<1024x3xf32> to vector<1024x1xf32>
    %sub3A_354 = arith.constant -1.000000e+00 : f32
    %sub3A_355 = vector.broadcast %sub3A_354 : f32 to vector<1024x1xf32>
    %sub3A_356 = arith.subf %slice3A_353, %sub3A_355 : vector<1024x1xf32>
    %div3A_357 = arith.constant 2.000000e+00 : f32
    %div3A_358 = vector.broadcast %div3A_357 : f32 to vector<1024x1xf32>
    %div3A_359 = arith.divf %sub3A_356, %div3A_358 : vector<1024x1xf32>
    %mul3A_360 = arith.constant 5.120000e+02 : f32
    %mul3A_361 = vector.broadcast %mul3A_360 : f32 to vector<1024x1xf32>
    %mul3A_362 = arith.mulf %div3A_359, %mul3A_361 : vector<1024x1xf32>
    %sub3A_363 = arith.constant 5.000000e-01 : f32
    %sub3A_364 = vector.broadcast %sub3A_363 : f32 to vector<1024x1xf32>
    %sub3A_365 = arith.subf %mul3A_362, %sub3A_364 : vector<1024x1xf32>
    %round3A_366 = math.roundeven %sub3A_365 : vector<1024x1xf32>
    %jit3A_367 = arith.constant 0 : i32
    %jit3A_368 = arith.constant 511 : i32
    %convert_element_type3A_369 = arith.sitofp %jit3A_367 : i32 to f32
    %max3A_370 = vector.broadcast %convert_element_type3A_369 : f32 to vector<1024x1xf32>
    %max3A_371 = arith.maximumf %max3A_370, %round3A_366 : vector<1024x1xf32>
    %convert_element_type3A_372 = arith.sitofp %jit3A_368 : i32 to f32
    %min3A_373 = vector.broadcast %convert_element_type3A_372 : f32 to vector<1024x1xf32>
    %min3A_374 = arith.minimumf %min3A_373, %max3A_371 : vector<1024x1xf32>
    %convert_element_type3A_375 = arith.fptosi %min3A_374 : vector<1024x1xf32> to vector<1024x1xi32>
    %get3A_376 = arith.constant 0 : index
    %get3A_377 = arith.constant 0 : index
    %get3A_378 = vector.load %arg8[%get3A_376, %get3A_377] : memref<512x64xbf16, #tpu.memory_space<vmem>>, vector<512x64xbf16>
    %iota3A_379 = tpu.iota {dimensions = array<i32: 1>} : vector<1024x512xi32>
    %eq3A_380 = vector.broadcast %convert_element_type3A_375 : vector<1024x1xi32> to vector<1024x512xi32>
    %eq3A_381 = arith.cmpi eq, %iota3A_379, %eq3A_380 : vector<1024x512xi32>
    %convert_element_type3A_382 = arith.extui %eq3A_381 : vector<1024x512xi1> to vector<1024x512xi32>
    %convert_element_type3A_383 = arith.sitofp %convert_element_type3A_382 : vector<1024x512xi32> to vector<1024x512xf32>
    %convert_element_type3A_384 = arith.truncf %convert_element_type3A_383 : vector<1024x512xf32> to vector<1024x512xbf16>
    %dot_general3A_385 = arith.constant dense<0.000000e+00> : vector<1024x64xf32>
    %dot_general3A_386 = tpu.matmul %convert_element_type3A_384, %get3A_378, %dot_general3A_385 {dimension_numbers = #tpu.dot_dimension_numbers<[1], [0], [0], [1], [0, 0, 1, 1], [], []>, transpose_lhs_hint = false} : vector<1024x512xbf16>, vector<512x64xbf16>, vector<1024x64xf32> -> vector<1024x64xf32>
    %slice3A_387 = vector.extract_strided_slice %slice3A_21 {offsets = [0, 1], sizes = [1024, 1], strides = [1, 1]} : vector<1024x3xf32> to vector<1024x1xf32>
    %sub3A_388 = arith.constant -1.000000e+00 : f32
    %sub3A_389 = vector.broadcast %sub3A_388 : f32 to vector<1024x1xf32>
    %sub3A_390 = arith.subf %slice3A_387, %sub3A_389 : vector<1024x1xf32>
    %div3A_391 = arith.constant 2.000000e+00 : f32
    %div3A_392 = vector.broadcast %div3A_391 : f32 to vector<1024x1xf32>
    %div3A_393 = arith.divf %sub3A_390, %div3A_392 : vector<1024x1xf32>
    %mul3A_394 = arith.constant 5.120000e+02 : f32
    %mul3A_395 = vector.broadcast %mul3A_394 : f32 to vector<1024x1xf32>
    %mul3A_396 = arith.mulf %div3A_393, %mul3A_395 : vector<1024x1xf32>
    %sub3A_397 = arith.constant 5.000000e-01 : f32
    %sub3A_398 = vector.broadcast %sub3A_397 : f32 to vector<1024x1xf32>
    %sub3A_399 = arith.subf %mul3A_396, %sub3A_398 : vector<1024x1xf32>
    %round3A_400 = math.roundeven %sub3A_399 : vector<1024x1xf32>
    %jit3A_401 = arith.constant 0 : i32
    %jit3A_402 = arith.constant 511 : i32
    %convert_element_type3A_403 = arith.sitofp %jit3A_401 : i32 to f32
    %max3A_404 = vector.broadcast %convert_element_type3A_403 : f32 to vector<1024x1xf32>
    %max3A_405 = arith.maximumf %max3A_404, %round3A_400 : vector<1024x1xf32>
    %convert_element_type3A_406 = arith.sitofp %jit3A_402 : i32 to f32
    %min3A_407 = vector.broadcast %convert_element_type3A_406 : f32 to vector<1024x1xf32>
    %min3A_408 = arith.minimumf %min3A_407, %max3A_405 : vector<1024x1xf32>
    %convert_element_type3A_409 = arith.fptosi %min3A_408 : vector<1024x1xf32> to vector<1024x1xi32>
    %get3A_410 = arith.constant 0 : index
    %get3A_411 = arith.constant 0 : index
    %get3A_412 = vector.load %arg8[%get3A_410, %get3A_411] : memref<512x64xbf16, #tpu.memory_space<vmem>>, vector<512x64xbf16>
    %iota3A_413 = tpu.iota {dimensions = array<i32: 1>} : vector<1024x512xi32>
    %eq3A_414 = vector.broadcast %convert_element_type3A_409 : vector<1024x1xi32> to vector<1024x512xi32>
    %eq3A_415 = arith.cmpi eq, %iota3A_413, %eq3A_414 : vector<1024x512xi32>
    %convert_element_type3A_416 = arith.extui %eq3A_415 : vector<1024x512xi1> to vector<1024x512xi32>
    %convert_element_type3A_417 = arith.sitofp %convert_element_type3A_416 : vector<1024x512xi32> to vector<1024x512xf32>
    %convert_element_type3A_418 = arith.truncf %convert_element_type3A_417 : vector<1024x512xf32> to vector<1024x512xbf16>
    %dot_general3A_419 = arith.constant dense<0.000000e+00> : vector<1024x64xf32>
    %dot_general3A_420 = tpu.matmul %convert_element_type3A_418, %get3A_412, %dot_general3A_419 {dimension_numbers = #tpu.dot_dimension_numbers<[1], [0], [0], [1], [0, 0, 1, 1], [], []>, transpose_lhs_hint = false} : vector<1024x512xbf16>, vector<512x64xbf16>, vector<1024x64xf32> -> vector<1024x64xf32>
    %slice3A_421 = vector.extract_strided_slice %slice3A_21 {offsets = [0, 2], sizes = [1024, 1], strides = [1, 1]} : vector<1024x3xf32> to vector<1024x1xf32>
    %sub3A_422 = arith.constant -1.000000e+00 : f32
    %sub3A_423 = vector.broadcast %sub3A_422 : f32 to vector<1024x1xf32>
    %sub3A_424 = arith.subf %slice3A_421, %sub3A_423 : vector<1024x1xf32>
    %div3A_425 = arith.constant 2.000000e+00 : f32
    %div3A_426 = vector.broadcast %div3A_425 : f32 to vector<1024x1xf32>
    %div3A_427 = arith.divf %sub3A_424, %div3A_426 : vector<1024x1xf32>
    %mul3A_428 = arith.constant 5.120000e+02 : f32
    %mul3A_429 = vector.broadcast %mul3A_428 : f32 to vector<1024x1xf32>
    %mul3A_430 = arith.mulf %div3A_427, %mul3A_429 : vector<1024x1xf32>
    %sub3A_431 = arith.constant 5.000000e-01 : f32
    %sub3A_432 = vector.broadcast %sub3A_431 : f32 to vector<1024x1xf32>
    %sub3A_433 = arith.subf %mul3A_430, %sub3A_432 : vector<1024x1xf32>
    %round3A_434 = math.roundeven %sub3A_433 : vector<1024x1xf32>
    %jit3A_435 = arith.constant 0 : i32
    %jit3A_436 = arith.constant 511 : i32
    %convert_element_type3A_437 = arith.sitofp %jit3A_435 : i32 to f32
    %max3A_438 = vector.broadcast %convert_element_type3A_437 : f32 to vector<1024x1xf32>
    %max3A_439 = arith.maximumf %max3A_438, %round3A_434 : vector<1024x1xf32>
    %convert_element_type3A_440 = arith.sitofp %jit3A_436 : i32 to f32
    %min3A_441 = vector.broadcast %convert_element_type3A_440 : f32 to vector<1024x1xf32>
    %min3A_442 = arith.minimumf %min3A_441, %max3A_439 : vector<1024x1xf32>
    %convert_element_type3A_443 = arith.fptosi %min3A_442 : vector<1024x1xf32> to vector<1024x1xi32>
    %get3A_444 = arith.constant 0 : index
    %get3A_445 = arith.constant 0 : index
    %get3A_446 = vector.load %arg8[%get3A_444, %get3A_445] : memref<512x64xbf16, #tpu.memory_space<vmem>>, vector<512x64xbf16>
    %iota3A_447 = tpu.iota {dimensions = array<i32: 1>} : vector<1024x512xi32>
    %eq3A_448 = vector.broadcast %convert_element_type3A_443 : vector<1024x1xi32> to vector<1024x512xi32>
    %eq3A_449 = arith.cmpi eq, %iota3A_447, %eq3A_448 : vector<1024x512xi32>
    %convert_element_type3A_450 = arith.extui %eq3A_449 : vector<1024x512xi1> to vector<1024x512xi32>
    %convert_element_type3A_451 = arith.sitofp %convert_element_type3A_450 : vector<1024x512xi32> to vector<1024x512xf32>
    %convert_element_type3A_452 = arith.truncf %convert_element_type3A_451 : vector<1024x512xf32> to vector<1024x512xbf16>
    %dot_general3A_453 = arith.constant dense<0.000000e+00> : vector<1024x64xf32>
    %dot_general3A_454 = tpu.matmul %convert_element_type3A_452, %get3A_446, %dot_general3A_453 {dimension_numbers = #tpu.dot_dimension_numbers<[1], [0], [0], [1], [0, 0, 1, 1], [], []>, transpose_lhs_hint = false} : vector<1024x512xbf16>, vector<512x64xbf16>, vector<1024x64xf32> -> vector<1024x64xf32>
    %slice3A_455 = vector.extract_strided_slice %min3A_65 {offsets = [0, 0], sizes = [1024, 1], strides = [1, 1]} : vector<1024x3xf32> to vector<1024x1xf32>
    %le3A = vector.broadcast %slice3A_455 : vector<1024x1xf32> to vector<1024x127xf32>
    %le3A_456 = vector.broadcast %get3A_1 : vector<1x127xf32> to vector<1024x127xf32>
    %le3A_457 = arith.cmpf ole, %le3A, %le3A_456 : vector<1024x127xf32>
    %convert_element_type3A_458 = arith.extui %le3A_457 : vector<1024x127xi1> to vector<1024x127xi32>
    %reduce_sum3A_459 = arith.constant dense<0> : vector<1024xi32>
    %reduce_sum3A_460 = vector.multi_reduction <add>, %convert_element_type3A_458, %reduce_sum3A_459 [1] : vector<1024x127xi32> to vector<1024xi32>
    %broadcast_in_dim3A_461 = vector.shape_cast %reduce_sum3A_460 : vector<1024xi32> to vector<1024x1xi32>
    %get3A_462 = arith.constant 0 : index
    %get3A_463 = arith.constant 0 : index
    %get3A_464 = vector.load %arg9[%get3A_462, %get3A_463] : memref<128x16xbf16, #tpu.memory_space<vmem>>, vector<128x16xbf16>
    %iota3A_465 = tpu.iota {dimensions = array<i32: 1>} : vector<1024x128xi32>
    %eq3A_466 = vector.broadcast %broadcast_in_dim3A_461 : vector<1024x1xi32> to vector<1024x128xi32>
    %eq3A_467 = arith.cmpi eq, %iota3A_465, %eq3A_466 : vector<1024x128xi32>
    %convert_element_type3A_468 = arith.extui %eq3A_467 : vector<1024x128xi1> to vector<1024x128xi32>
    %convert_element_type3A_469 = arith.sitofp %convert_element_type3A_468 : vector<1024x128xi32> to vector<1024x128xf32>
    %convert_element_type3A_470 = arith.truncf %convert_element_type3A_469 : vector<1024x128xf32> to vector<1024x128xbf16>
    %dot_general3A_471 = arith.constant dense<0.000000e+00> : vector<1024x16xf32>
    %dot_general3A_472 = tpu.matmul %convert_element_type3A_470, %get3A_464, %dot_general3A_471 {dimension_numbers = #tpu.dot_dimension_numbers<[1], [0], [0], [1], [0, 0, 1, 1], [], []>, transpose_lhs_hint = false} : vector<1024x128xbf16>, vector<128x16xbf16>, vector<1024x16xf32> -> vector<1024x16xf32>
    %slice3A_473 = vector.extract_strided_slice %min3A_65 {offsets = [0, 1], sizes = [1024, 1], strides = [1, 1]} : vector<1024x3xf32> to vector<1024x1xf32>
    %le3A_474 = vector.broadcast %slice3A_473 : vector<1024x1xf32> to vector<1024x127xf32>
    %le3A_475 = vector.broadcast %get3A_1 : vector<1x127xf32> to vector<1024x127xf32>
    %le3A_476 = arith.cmpf ole, %le3A_474, %le3A_475 : vector<1024x127xf32>
    %convert_element_type3A_477 = arith.extui %le3A_476 : vector<1024x127xi1> to vector<1024x127xi32>
    %reduce_sum3A_478 = arith.constant dense<0> : vector<1024xi32>
    %reduce_sum3A_479 = vector.multi_reduction <add>, %convert_element_type3A_477, %reduce_sum3A_478 [1] : vector<1024x127xi32> to vector<1024xi32>
    %broadcast_in_dim3A_480 = vector.shape_cast %reduce_sum3A_479 : vector<1024xi32> to vector<1024x1xi32>
    %get3A_481 = arith.constant 0 : index
    %get3A_482 = arith.constant 0 : index
    %get3A_483 = vector.load %arg9[%get3A_481, %get3A_482] : memref<128x16xbf16, #tpu.memory_space<vmem>>, vector<128x16xbf16>
    %iota3A_484 = tpu.iota {dimensions = array<i32: 1>} : vector<1024x128xi32>
    %eq3A_485 = vector.broadcast %broadcast_in_dim3A_480 : vector<1024x1xi32> to vector<1024x128xi32>
    %eq3A_486 = arith.cmpi eq, %iota3A_484, %eq3A_485 : vector<1024x128xi32>
    %convert_element_type3A_487 = arith.extui %eq3A_486 : vector<1024x128xi1> to vector<1024x128xi32>
    %convert_element_type3A_488 = arith.sitofp %convert_element_type3A_487 : vector<1024x128xi32> to vector<1024x128xf32>
    %convert_element_type3A_489 = arith.truncf %convert_element_type3A_488 : vector<1024x128xf32> to vector<1024x128xbf16>
    %dot_general3A_490 = arith.constant dense<0.000000e+00> : vector<1024x16xf32>
    %dot_general3A_491 = tpu.matmul %convert_element_type3A_489, %get3A_483, %dot_general3A_490 {dimension_numbers = #tpu.dot_dimension_numbers<[1], [0], [0], [1], [0, 0, 1, 1], [], []>, transpose_lhs_hint = false} : vector<1024x128xbf16>, vector<128x16xbf16>, vector<1024x16xf32> -> vector<1024x16xf32>
    %slice3A_492 = vector.extract_strided_slice %min3A_65 {offsets = [0, 2], sizes = [1024, 1], strides = [1, 1]} : vector<1024x3xf32> to vector<1024x1xf32>
    %le3A_493 = vector.broadcast %slice3A_492 : vector<1024x1xf32> to vector<1024x127xf32>
    %le3A_494 = vector.broadcast %get3A_1 : vector<1x127xf32> to vector<1024x127xf32>
    %le3A_495 = arith.cmpf ole, %le3A_493, %le3A_494 : vector<1024x127xf32>
    %convert_element_type3A_496 = arith.extui %le3A_495 : vector<1024x127xi1> to vector<1024x127xi32>
    %reduce_sum3A_497 = arith.constant dense<0> : vector<1024xi32>
    %reduce_sum3A_498 = vector.multi_reduction <add>, %convert_element_type3A_496, %reduce_sum3A_497 [1] : vector<1024x127xi32> to vector<1024xi32>
    %broadcast_in_dim3A_499 = vector.shape_cast %reduce_sum3A_498 : vector<1024xi32> to vector<1024x1xi32>
    %get3A_500 = arith.constant 0 : index
    %get3A_501 = arith.constant 0 : index
    %get3A_502 = vector.load %arg9[%get3A_500, %get3A_501] : memref<128x16xbf16, #tpu.memory_space<vmem>>, vector<128x16xbf16>
    %iota3A_503 = tpu.iota {dimensions = array<i32: 1>} : vector<1024x128xi32>
    %eq3A_504 = vector.broadcast %broadcast_in_dim3A_499 : vector<1024x1xi32> to vector<1024x128xi32>
    %eq3A_505 = arith.cmpi eq, %iota3A_503, %eq3A_504 : vector<1024x128xi32>
    %convert_element_type3A_506 = arith.extui %eq3A_505 : vector<1024x128xi1> to vector<1024x128xi32>
    %convert_element_type3A_507 = arith.sitofp %convert_element_type3A_506 : vector<1024x128xi32> to vector<1024x128xf32>
    %convert_element_type3A_508 = arith.truncf %convert_element_type3A_507 : vector<1024x128xf32> to vector<1024x128xbf16>
    %dot_general3A_509 = arith.constant dense<0.000000e+00> : vector<1024x16xf32>
    %dot_general3A_510 = tpu.matmul %convert_element_type3A_508, %get3A_502, %dot_general3A_509 {dimension_numbers = #tpu.dot_dimension_numbers<[1], [0], [0], [1], [0, 0, 1, 1], [], []>, transpose_lhs_hint = false} : vector<1024x128xbf16>, vector<128x16xbf16>, vector<1024x16xf32> -> vector<1024x16xf32>
    %sub3A_511 = arith.constant 0.000000e+00 : f32
    %sub3A_512 = vector.broadcast %sub3A_511 : f32 to vector<1024x1xf32>
    %sub3A_513 = arith.subf %mul3A_105, %sub3A_512 : vector<1024x1xf32>
    %div3A_514 = arith.constant 4.000000e+00 : f32
    %div3A_515 = vector.broadcast %div3A_514 : f32 to vector<1024x1xf32>
    %div3A_516 = arith.divf %sub3A_513, %div3A_515 : vector<1024x1xf32>
    %mul3A_517 = arith.constant 1.280000e+02 : f32
    %mul3A_518 = vector.broadcast %mul3A_517 : f32 to vector<1024x1xf32>
    %mul3A_519 = arith.mulf %div3A_516, %mul3A_518 : vector<1024x1xf32>
    %sub3A_520 = arith.constant 5.000000e-01 : f32
    %sub3A_521 = vector.broadcast %sub3A_520 : f32 to vector<1024x1xf32>
    %sub3A_522 = arith.subf %mul3A_519, %sub3A_521 : vector<1024x1xf32>
    %round3A_523 = math.roundeven %sub3A_522 : vector<1024x1xf32>
    %jit3A_524 = arith.constant 0 : i32
    %jit3A_525 = arith.constant 127 : i32
    %convert_element_type3A_526 = arith.sitofp %jit3A_524 : i32 to f32
    %max3A_527 = vector.broadcast %convert_element_type3A_526 : f32 to vector<1024x1xf32>
    %max3A_528 = arith.maximumf %max3A_527, %round3A_523 : vector<1024x1xf32>
    %convert_element_type3A_529 = arith.sitofp %jit3A_525 : i32 to f32
    %min3A_530 = vector.broadcast %convert_element_type3A_529 : f32 to vector<1024x1xf32>
    %min3A_531 = arith.minimumf %min3A_530, %max3A_528 : vector<1024x1xf32>
    %convert_element_type3A_532 = arith.fptosi %min3A_531 : vector<1024x1xf32> to vector<1024x1xi32>
    %get3A_533 = arith.constant 0 : index
    %get3A_534 = arith.constant 0 : index
    %get3A_535 = vector.load %arg10[%get3A_533, %get3A_534] : memref<128x16xbf16, #tpu.memory_space<vmem>>, vector<128x16xbf16>
    %iota3A_536 = tpu.iota {dimensions = array<i32: 1>} : vector<1024x128xi32>
    %eq3A_537 = vector.broadcast %convert_element_type3A_532 : vector<1024x1xi32> to vector<1024x128xi32>
    %eq3A_538 = arith.cmpi eq, %iota3A_536, %eq3A_537 : vector<1024x128xi32>
    %convert_element_type3A_539 = arith.extui %eq3A_538 : vector<1024x128xi1> to vector<1024x128xi32>
    %convert_element_type3A_540 = arith.sitofp %convert_element_type3A_539 : vector<1024x128xi32> to vector<1024x128xf32>
    %convert_element_type3A_541 = arith.truncf %convert_element_type3A_540 : vector<1024x128xf32> to vector<1024x128xbf16>
    %dot_general3A_542 = arith.constant dense<0.000000e+00> : vector<1024x16xf32>
    %dot_general3A_543 = tpu.matmul %convert_element_type3A_541, %get3A_535, %dot_general3A_542 {dimension_numbers = #tpu.dot_dimension_numbers<[1], [0], [0], [1], [0, 0, 1, 1], [], []>, transpose_lhs_hint = false} : vector<1024x128xbf16>, vector<128x16xbf16>, vector<1024x16xf32> -> vector<1024x16xf32>
    %sub3A_544 = arith.constant -1.000000e+00 : f32
    %sub3A_545 = vector.broadcast %sub3A_544 : f32 to vector<1024x3xf32>
    %sub3A_546 = arith.subf %div3A_97, %sub3A_545 : vector<1024x3xf32>
    %div3A_547 = arith.constant 2.000000e+00 : f32
    %div3A_548 = vector.broadcast %div3A_547 : f32 to vector<1024x3xf32>
    %div3A_549 = arith.divf %sub3A_546, %div3A_548 : vector<1024x3xf32>
    %mul3A_550 = arith.constant 1.280000e+02 : f32
    %mul3A_551 = vector.broadcast %mul3A_550 : f32 to vector<1024x3xf32>
    %mul3A_552 = arith.mulf %div3A_549, %mul3A_551 : vector<1024x3xf32>
    %sub3A_553 = arith.constant 5.000000e-01 : f32
    %sub3A_554 = vector.broadcast %sub3A_553 : f32 to vector<1024x3xf32>
    %sub3A_555 = arith.subf %mul3A_552, %sub3A_554 : vector<1024x3xf32>
    %round3A_556 = math.roundeven %sub3A_555 : vector<1024x3xf32>
    %jit3A_557 = arith.constant 0 : i32
    %jit3A_558 = arith.constant 127 : i32
    %convert_element_type3A_559 = arith.sitofp %jit3A_557 : i32 to f32
    %max3A_560 = vector.broadcast %convert_element_type3A_559 : f32 to vector<1024x3xf32>
    %max3A_561 = arith.maximumf %max3A_560, %round3A_556 : vector<1024x3xf32>
    %convert_element_type3A_562 = arith.sitofp %jit3A_558 : i32 to f32
    %min3A_563 = vector.broadcast %convert_element_type3A_562 : f32 to vector<1024x3xf32>
    %min3A_564 = arith.minimumf %min3A_563, %max3A_561 : vector<1024x3xf32>
    %convert_element_type3A_565 = arith.fptosi %min3A_564 : vector<1024x3xf32> to vector<1024x3xi32>
    %slice3A_566 = vector.extract_strided_slice %convert_element_type3A_565 {offsets = [0, 0], sizes = [1024, 1], strides = [1, 1]} : vector<1024x3xi32> to vector<1024x1xi32>
    %get3A_567 = arith.constant 0 : index
    %get3A_568 = arith.constant 0 : index
    %get3A_569 = vector.load %arg11[%get3A_567, %get3A_568] : memref<128x64xbf16, #tpu.memory_space<vmem>>, vector<128x64xbf16>
    %iota3A_570 = tpu.iota {dimensions = array<i32: 1>} : vector<1024x128xi32>
    %eq3A_571 = vector.broadcast %slice3A_566 : vector<1024x1xi32> to vector<1024x128xi32>
    %eq3A_572 = arith.cmpi eq, %iota3A_570, %eq3A_571 : vector<1024x128xi32>
    %convert_element_type3A_573 = arith.extui %eq3A_572 : vector<1024x128xi1> to vector<1024x128xi32>
    %convert_element_type3A_574 = arith.sitofp %convert_element_type3A_573 : vector<1024x128xi32> to vector<1024x128xf32>
    %convert_element_type3A_575 = arith.truncf %convert_element_type3A_574 : vector<1024x128xf32> to vector<1024x128xbf16>
    %dot_general3A_576 = arith.constant dense<0.000000e+00> : vector<1024x64xf32>
    %dot_general3A_577 = tpu.matmul %convert_element_type3A_575, %get3A_569, %dot_general3A_576 {dimension_numbers = #tpu.dot_dimension_numbers<[1], [0], [0], [1], [0, 0, 1, 1], [], []>, transpose_lhs_hint = false} : vector<1024x128xbf16>, vector<128x64xbf16>, vector<1024x64xf32> -> vector<1024x64xf32>
    %slice3A_578 = vector.extract_strided_slice %convert_element_type3A_565 {offsets = [0, 1], sizes = [1024, 1], strides = [1, 1]} : vector<1024x3xi32> to vector<1024x1xi32>
    %get3A_579 = arith.constant 0 : index
    %get3A_580 = arith.constant 0 : index
    %get3A_581 = vector.load %arg11[%get3A_579, %get3A_580] : memref<128x64xbf16, #tpu.memory_space<vmem>>, vector<128x64xbf16>
    %iota3A_582 = tpu.iota {dimensions = array<i32: 1>} : vector<1024x128xi32>
    %eq3A_583 = vector.broadcast %slice3A_578 : vector<1024x1xi32> to vector<1024x128xi32>
    %eq3A_584 = arith.cmpi eq, %iota3A_582, %eq3A_583 : vector<1024x128xi32>
    %convert_element_type3A_585 = arith.extui %eq3A_584 : vector<1024x128xi1> to vector<1024x128xi32>
    %convert_element_type3A_586 = arith.sitofp %convert_element_type3A_585 : vector<1024x128xi32> to vector<1024x128xf32>
    %convert_element_type3A_587 = arith.truncf %convert_element_type3A_586 : vector<1024x128xf32> to vector<1024x128xbf16>
    %dot_general3A_588 = arith.constant dense<0.000000e+00> : vector<1024x64xf32>
    %dot_general3A_589 = tpu.matmul %convert_element_type3A_587, %get3A_581, %dot_general3A_588 {dimension_numbers = #tpu.dot_dimension_numbers<[1], [0], [0], [1], [0, 0, 1, 1], [], []>, transpose_lhs_hint = false} : vector<1024x128xbf16>, vector<128x64xbf16>, vector<1024x64xf32> -> vector<1024x64xf32>
    %slice3A_590 = vector.extract_strided_slice %convert_element_type3A_565 {offsets = [0, 2], sizes = [1024, 1], strides = [1, 1]} : vector<1024x3xi32> to vector<1024x1xi32>
    %get3A_591 = arith.constant 0 : index
    %get3A_592 = arith.constant 0 : index
    %get3A_593 = vector.load %arg11[%get3A_591, %get3A_592] : memref<128x64xbf16, #tpu.memory_space<vmem>>, vector<128x64xbf16>
    %iota3A_594 = tpu.iota {dimensions = array<i32: 1>} : vector<1024x128xi32>
    %eq3A_595 = vector.broadcast %slice3A_590 : vector<1024x1xi32> to vector<1024x128xi32>
    %eq3A_596 = arith.cmpi eq, %iota3A_594, %eq3A_595 : vector<1024x128xi32>
    %convert_element_type3A_597 = arith.extui %eq3A_596 : vector<1024x128xi1> to vector<1024x128xi32>
    %convert_element_type3A_598 = arith.sitofp %convert_element_type3A_597 : vector<1024x128xi32> to vector<1024x128xf32>
    %convert_element_type3A_599 = arith.truncf %convert_element_type3A_598 : vector<1024x128xf32> to vector<1024x128xbf16>
    %dot_general3A_600 = arith.constant dense<0.000000e+00> : vector<1024x64xf32>
    %dot_general3A_601 = tpu.matmul %convert_element_type3A_599, %get3A_593, %dot_general3A_600 {dimension_numbers = #tpu.dot_dimension_numbers<[1], [0], [0], [1], [0, 0, 1, 1], [], []>, transpose_lhs_hint = false} : vector<1024x128xbf16>, vector<128x64xbf16>, vector<1024x64xf32> -> vector<1024x64xf32>
    %le3A_602 = vector.broadcast %min3A_153 : vector<1024x1xf32> to vector<1024x127xf32>
    %le3A_603 = vector.broadcast %get3A_1 : vector<1x127xf32> to vector<1024x127xf32>
    %le3A_604 = arith.cmpf ole, %le3A_602, %le3A_603 : vector<1024x127xf32>
    %convert_element_type3A_605 = arith.extui %le3A_604 : vector<1024x127xi1> to vector<1024x127xi32>
    %reduce_sum3A_606 = arith.constant dense<0> : vector<1024xi32>
    %reduce_sum3A_607 = vector.multi_reduction <add>, %convert_element_type3A_605, %reduce_sum3A_606 [1] : vector<1024x127xi32> to vector<1024xi32>
    %broadcast_in_dim3A_608 = vector.shape_cast %reduce_sum3A_607 : vector<1024xi32> to vector<1024x1xi32>
    %get3A_609 = arith.constant 0 : index
    %get3A_610 = arith.constant 0 : index
    %get3A_611 = vector.load %arg12[%get3A_609, %get3A_610] : memref<128x16xbf16, #tpu.memory_space<vmem>>, vector<128x16xbf16>
    %iota3A_612 = tpu.iota {dimensions = array<i32: 1>} : vector<1024x128xi32>
    %eq3A_613 = vector.broadcast %broadcast_in_dim3A_608 : vector<1024x1xi32> to vector<1024x128xi32>
    %eq3A_614 = arith.cmpi eq, %iota3A_612, %eq3A_613 : vector<1024x128xi32>
    %convert_element_type3A_615 = arith.extui %eq3A_614 : vector<1024x128xi1> to vector<1024x128xi32>
    %convert_element_type3A_616 = arith.sitofp %convert_element_type3A_615 : vector<1024x128xi32> to vector<1024x128xf32>
    %convert_element_type3A_617 = arith.truncf %convert_element_type3A_616 : vector<1024x128xf32> to vector<1024x128xbf16>
    %dot_general3A_618 = arith.constant dense<0.000000e+00> : vector<1024x16xf32>
    %dot_general3A_619 = tpu.matmul %convert_element_type3A_617, %get3A_611, %dot_general3A_618 {dimension_numbers = #tpu.dot_dimension_numbers<[1], [0], [0], [1], [0, 0, 1, 1], [], []>, transpose_lhs_hint = false} : vector<1024x128xbf16>, vector<128x16xbf16>, vector<1024x16xf32> -> vector<1024x16xf32>
    %sub3A_620 = arith.constant -1.000000e+00 : f32
    %sub3A_621 = vector.broadcast %sub3A_620 : f32 to vector<3x1xf32>
    %sub3A_622 = arith.subf %get3A_110, %sub3A_621 : vector<3x1xf32>
    %div3A_623 = arith.constant 2.000000e+00 : f32
    %div3A_624 = vector.broadcast %div3A_623 : f32 to vector<3x1xf32>
    %div3A_625 = arith.divf %sub3A_622, %div3A_624 : vector<3x1xf32>
    %mul3A_626 = arith.constant 1.280000e+02 : f32
    %mul3A_627 = vector.broadcast %mul3A_626 : f32 to vector<3x1xf32>
    %mul3A_628 = arith.mulf %div3A_625, %mul3A_627 : vector<3x1xf32>
    %sub3A_629 = arith.constant 5.000000e-01 : f32
    %sub3A_630 = vector.broadcast %sub3A_629 : f32 to vector<3x1xf32>
    %sub3A_631 = arith.subf %mul3A_628, %sub3A_630 : vector<3x1xf32>
    %round3A_632 = math.roundeven %sub3A_631 : vector<3x1xf32>
    %jit3A_633 = arith.constant 0 : i32
    %jit3A_634 = arith.constant 127 : i32
    %convert_element_type3A_635 = arith.sitofp %jit3A_633 : i32 to f32
    %max3A_636 = vector.broadcast %convert_element_type3A_635 : f32 to vector<3x1xf32>
    %max3A_637 = arith.maximumf %max3A_636, %round3A_632 : vector<3x1xf32>
    %convert_element_type3A_638 = arith.sitofp %jit3A_634 : i32 to f32
    %min3A_639 = vector.broadcast %convert_element_type3A_638 : f32 to vector<3x1xf32>
    %min3A_640 = arith.minimumf %min3A_639, %max3A_637 : vector<3x1xf32>
    %convert_element_type3A_641 = arith.fptosi %min3A_640 : vector<3x1xf32> to vector<3x1xi32>
    %iota3A_642 = tpu.iota {dimensions = array<i32: 1>} : vector<3x128xi32>
    %eq3A_643 = vector.broadcast %convert_element_type3A_641 : vector<3x1xi32> to vector<3x128xi32>
    %eq3A_644 = arith.cmpi eq, %iota3A_642, %eq3A_643 : vector<3x128xi32>
    %convert_element_type3A_645 = arith.extui %eq3A_644 : vector<3x128xi1> to vector<3x128xi32>
    %convert_element_type3A_646 = arith.sitofp %convert_element_type3A_645 : vector<3x128xi32> to vector<3x128xf32>
    %convert_element_type3A_647 = arith.truncf %convert_element_type3A_646 : vector<3x128xf32> to vector<3x128xbf16>
    %get3A_648 = arith.constant 0 : index
    %get3A_649 = arith.constant 0 : index
    %get3A_650 = vector.load %arg13[%get3A_648, %get3A_649] : memref<128x64xbf16, #tpu.memory_space<vmem>>, vector<128x64xbf16>
    %dot_general3A_651 = arith.constant dense<0.000000e+00> : vector<3x64xf32>
    %dot_general3A_652 = tpu.matmul %convert_element_type3A_647, %get3A_650, %dot_general3A_651 {dimension_numbers = #tpu.dot_dimension_numbers<[1], [0], [0], [1], [0, 0, 1, 1], [], []>, transpose_lhs_hint = false} : vector<3x128xbf16>, vector<128x64xbf16>, vector<3x64xf32> -> vector<3x64xf32>
    %slice3A_653 = vector.extract_strided_slice %dot_general3A_652 {offsets = [0, 0], sizes = [1, 64], strides = [1, 1]} : vector<3x64xf32> to vector<1x64xf32>
    %broadcast_in_dim3A_654 = vector.shape_cast %slice3A_653 : vector<1x64xf32> to vector<1x64xf32>
    %broadcast_in_dim3A_655 = vector.broadcast %broadcast_in_dim3A_654 : vector<1x64xf32> to vector<1024x64xf32>
    %slice3A_656 = vector.extract_strided_slice %dot_general3A_652 {offsets = [1, 0], sizes = [1, 64], strides = [1, 1]} : vector<3x64xf32> to vector<1x64xf32>
    %broadcast_in_dim3A_657 = vector.shape_cast %slice3A_656 : vector<1x64xf32> to vector<1x64xf32>
    %broadcast_in_dim3A_658 = vector.broadcast %broadcast_in_dim3A_657 : vector<1x64xf32> to vector<1024x64xf32>
    %slice3A_659 = vector.extract_strided_slice %dot_general3A_652 {offsets = [2, 0], sizes = [1, 64], strides = [1, 1]} : vector<3x64xf32> to vector<1x64xf32>
    %broadcast_in_dim3A_660 = vector.shape_cast %slice3A_659 : vector<1x64xf32> to vector<1x64xf32>
    %broadcast_in_dim3A_661 = vector.broadcast %broadcast_in_dim3A_660 : vector<1x64xf32> to vector<1024x64xf32>
    %get3A_662 = arith.constant 0 : index
    %get3A_663 = arith.constant 0 : index
    %get3A_664 = arith.constant 0 : index
    %get3A_665 = vector.load %arg6[%get3A_662, %get3A_663, %get3A_664] : memref<1x1x1xf32, #tpu.memory_space<vmem>>, vector<1x1x1xf32>
    %get3A_666 = vector.shape_cast %get3A_665 : vector<1x1x1xf32> to vector<1x1xf32>
    %sub3A_667 = arith.constant 0.000000e+00 : f32
    %sub3A_668 = vector.broadcast %sub3A_667 : f32 to vector<1x1xf32>
    %sub3A_669 = arith.subf %get3A_666, %sub3A_668 : vector<1x1xf32>
    %div3A_670 = arith.constant 1.000000e+00 : f32
    %div3A_671 = vector.broadcast %div3A_670 : f32 to vector<1x1xf32>
    %div3A_672 = arith.divf %sub3A_669, %div3A_671 : vector<1x1xf32>
    %mul3A_673 = arith.constant 5.120000e+02 : f32
    %mul3A_674 = vector.broadcast %mul3A_673 : f32 to vector<1x1xf32>
    %mul3A_675 = arith.mulf %div3A_672, %mul3A_674 : vector<1x1xf32>
    %sub3A_676 = arith.constant 5.000000e-01 : f32
    %sub3A_677 = vector.broadcast %sub3A_676 : f32 to vector<1x1xf32>
    %sub3A_678 = arith.subf %mul3A_675, %sub3A_677 : vector<1x1xf32>
    %round3A_679 = math.roundeven %sub3A_678 : vector<1x1xf32>
    %jit3A_680 = arith.constant 0 : i32
    %jit3A_681 = arith.constant 511 : i32
    %convert_element_type3A_682 = arith.sitofp %jit3A_680 : i32 to f32
    %max3A_683 = vector.broadcast %convert_element_type3A_682 : f32 to vector<1x1xf32>
    %max3A_684 = arith.maximumf %max3A_683, %round3A_679 : vector<1x1xf32>
    %convert_element_type3A_685 = arith.sitofp %jit3A_681 : i32 to f32
    %min3A_686 = vector.broadcast %convert_element_type3A_685 : f32 to vector<1x1xf32>
    %min3A_687 = arith.minimumf %min3A_686, %max3A_684 : vector<1x1xf32>
    %convert_element_type3A_688 = arith.fptosi %min3A_687 : vector<1x1xf32> to vector<1x1xi32>
    %iota3A_689 = tpu.iota {dimensions = array<i32: 1>} : vector<1x512xi32>
    %eq3A_690 = vector.broadcast %convert_element_type3A_688 : vector<1x1xi32> to vector<1x512xi32>
    %eq3A_691 = arith.cmpi eq, %iota3A_689, %eq3A_690 : vector<1x512xi32>
    %convert_element_type3A_692 = arith.extui %eq3A_691 : vector<1x512xi1> to vector<1x512xi32>
    %convert_element_type3A_693 = arith.sitofp %convert_element_type3A_692 : vector<1x512xi32> to vector<1x512xf32>
    %convert_element_type3A_694 = arith.truncf %convert_element_type3A_693 : vector<1x512xf32> to vector<1x512xbf16>
    %get3A_695 = arith.constant 0 : index
    %get3A_696 = arith.constant 0 : index
    %get3A_697 = vector.load %arg14[%get3A_695, %get3A_696] : memref<512x16xbf16, #tpu.memory_space<vmem>>, vector<512x16xbf16>
    %dot_general3A_698 = arith.constant dense<0.000000e+00> : vector<1x16xf32>
    %dot_general3A_699 = tpu.matmul %convert_element_type3A_694, %get3A_697, %dot_general3A_698 {dimension_numbers = #tpu.dot_dimension_numbers<[1], [0], [0], [1], [0, 0, 1, 1], [], []>, transpose_lhs_hint = false} : vector<1x512xbf16>, vector<512x16xbf16>, vector<1x16xf32> -> vector<1x16xf32>
    %broadcast_in_dim3A_700 = vector.shape_cast %dot_general3A_699 : vector<1x16xf32> to vector<1x16xf32>
    %broadcast_in_dim3A_701 = vector.broadcast %broadcast_in_dim3A_700 : vector<1x16xf32> to vector<1024x16xf32>
    %concatenate3A_702 = tpu.concatenate %dot_general3A_182, %dot_general3A_216, %dot_general3A_250, %dot_general3A_284, %dot_general3A_318, %dot_general3A_352, %dot_general3A_386, %dot_general3A_420, %dot_general3A_454, %dot_general3A_472, %dot_general3A_491, %dot_general3A_510, %dot_general3A_543, %dot_general3A_577, %dot_general3A_589, %dot_general3A_601, %dot_general3A_619, %broadcast_in_dim3A_655, %broadcast_in_dim3A_658, %broadcast_in_dim3A_661, %broadcast_in_dim3A_701 in 1 : vector<1024x64xf32>, vector<1024x64xf32>, vector<1024x64xf32>, vector<1024x64xf32>, vector<1024x64xf32>, vector<1024x64xf32>, vector<1024x64xf32>, vector<1024x64xf32>, vector<1024x64xf32>, vector<1024x16xf32>, vector<1024x16xf32>, vector<1024x16xf32>, vector<1024x16xf32>, vector<1024x64xf32>, vector<1024x64xf32>, vector<1024x64xf32>, vector<1024x16xf32>, vector<1024x64xf32>, vector<1024x64xf32>, vector<1024x64xf32>, vector<1024x16xf32> -> vector<1024x1056xf32>
    %swap3A = arith.constant 0 : index
    %swap3A_703 = arith.constant 0 : index
    %swap3A_704 = arith.constant 0 : index
    %swap3A_705 = vector.load %arg15[%swap3A, %swap3A_703, %swap3A_704] : memref<1x1024x1056xf32, #tpu.memory_space<vmem>>, vector<1x1024x1056xf32>
    %swap3A_706 = vector.shape_cast %swap3A_705 : vector<1x1024x1056xf32> to vector<1024x1056xf32>
    %swap3A_707 = vector.shape_cast %concatenate3A_702 : vector<1024x1056xf32> to vector<1x1024x1056xf32>
    tpu.vector_store %arg15[%swap3A, %swap3A_703, %swap3A_704], %swap3A_707 {strides = array<i32>} : memref<1x1024x1056xf32, #tpu.memory_space<vmem>>, vector<1x1024x1056xf32>,
    return
  }
  func.func @transform_0(%arg0: i32, %arg1: i32) -> (i32, i32, i32, i32) {
    %c0_i32 = arith.constant 0 : i32
    %c0_i32_0 = arith.constant 0 : i32
    %c0_i32_1 = arith.constant 0 : i32
    return %c0_i32, %arg0, %arg1, %c0_i32_0 : i32, i32, i32, i32
  }
  func.func @transform_1(%arg0: i32, %arg1: i32) -> (i32, i32, i32, i32) {
    %c1_i32 = arith.constant 1 : i32
    %c0_i32 = arith.constant 0 : i32
    %c0_i32_0 = arith.constant 0 : i32
    return %c1_i32, %arg0, %arg1, %c0_i32 : i32, i32, i32, i32
  }
  func.func @transform_2(%arg0: i32, %arg1: i32) -> (i32, i32, i32, i32) {
    %c2_i32 = arith.constant 2 : i32
    %c0_i32 = arith.constant 0 : i32
    %c0_i32_0 = arith.constant 0 : i32
    return %c2_i32, %arg0, %arg1, %c0_i32 : i32, i32, i32, i32
  }
  func.func @transform_3(%arg0: i32, %arg1: i32) -> (i32, i32, i32) {
    %c0_i32 = arith.constant 0 : i32
    %c0_i32_0 = arith.constant 0 : i32
    %c0_i32_1 = arith.constant 0 : i32
    return %arg0, %c0_i32, %c0_i32_0 : i32, i32, i32
  }
  func.func @transform_4(%arg0: i32, %arg1: i32) -> (i32, i32, i32) {
    %c0_i32 = arith.constant 0 : i32
    %c0_i32_0 = arith.constant 0 : i32
    %c0_i32_1 = arith.constant 0 : i32
    return %arg0, %c0_i32, %c0_i32_0 : i32, i32, i32
  }
  func.func @transform_5(%arg0: i32, %arg1: i32) -> (i32, i32) {
    %c0_i32 = arith.constant 0 : i32
    %c0_i32_0 = arith.constant 0 : i32
    %c0_i32_1 = arith.constant 0 : i32
    return %c0_i32, %c0_i32_0 : i32, i32
  }
  func.func @transform_6(%arg0: i32, %arg1: i32) -> (i32, i32) {
    %c0_i32 = arith.constant 0 : i32
    %c0_i32_0 = arith.constant 0 : i32
    %c0_i32_1 = arith.constant 0 : i32
    return %c0_i32, %c0_i32_0 : i32, i32
  }
  func.func @transform_7(%arg0: i32, %arg1: i32) -> (i32, i32) {
    %c0_i32 = arith.constant 0 : i32
    %c0_i32_0 = arith.constant 0 : i32
    %c0_i32_1 = arith.constant 0 : i32
    return %c0_i32, %c0_i32_0 : i32, i32
  }
  func.func @transform_8(%arg0: i32, %arg1: i32) -> (i32, i32) {
    %c0_i32 = arith.constant 0 : i32
    %c0_i32_0 = arith.constant 0 : i32
    %c0_i32_1 = arith.constant 0 : i32
    return %c0_i32, %c0_i32_0 : i32, i32
  }
  func.func @transform_9(%arg0: i32, %arg1: i32) -> (i32, i32) {
    %c0_i32 = arith.constant 0 : i32
    %c0_i32_0 = arith.constant 0 : i32
    %c0_i32_1 = arith.constant 0 : i32
    return %c0_i32, %c0_i32_0 : i32, i32
  }
  func.func @transform_10(%arg0: i32, %arg1: i32) -> (i32, i32) {
    %c0_i32 = arith.constant 0 : i32
    %c0_i32_0 = arith.constant 0 : i32
    %c0_i32_1 = arith.constant 0 : i32
    return %c0_i32, %c0_i32_0 : i32, i32
  }
  func.func @transform_11(%arg0: i32, %arg1: i32) -> (i32, i32) {
    %c0_i32 = arith.constant 0 : i32
    %c0_i32_0 = arith.constant 0 : i32
    %c0_i32_1 = arith.constant 0 : i32
    return %c0_i32, %c0_i32_0 : i32, i32
  }
  func.func @transform_12(%arg0: i32, %arg1: i32) -> (i32, i32) {
    %c0_i32 = arith.constant 0 : i32
    %c0_i32_0 = arith.constant 0 : i32
    %c0_i32_1 = arith.constant 0 : i32
    return %c0_i32, %c0_i32_0 : i32, i32
  }
  func.func @transform_13(%arg0: i32, %arg1: i32) -> (i32, i32, i32) {
    %c0_i32 = arith.constant 0 : i32
    %c0_i32_0 = arith.constant 0 : i32
    return %arg0, %arg1, %c0_i32 : i32, i32, i32
  }
}

</mosaic_0001>

<sc_bundles>
// kernel: kernel.4.cloned.1.call-start
scs
__scs_entry_jumppad:
0x0: {  	(pc) =	sbr.rel $0x88, $3  }
0x1: {  	(tag) =	ssettag $0x0;
	lr =	simm.s32 $0x1  }
0x2: {  	[smem:$0x3F95] =	sst lr;
	_ =	strace $0xD0000000  }
0x3: {  	_ = 	snop  }
0x4: {  	_ = 	snop  }
0x5: {  	_ = 	snop  }
0x6: {  	_ = 	snop  }
0x7: {  	_ = 	snop  }
__scs_overlays_trampoline_lowered:
0x8: {  	[smem:$0x3FA4] =	sst s0  }
0x9: {  	[smem:$0x3FA5] =	sst s1  }
0xa: {  	[smem:$0x3FA6] =	sst s2  }
0xb: {  	[smem:$0x3FA7] =	sst s3  }
0xc: {  	[smem:$0x3FA8] =	sst s4  }
0xd: {  	[smem:$0x3FA9] =	sst s5  }
0xe: {  	[smem:$0x3FAA] =	sst s6  }
0xf: {  	[smem:$0x3FAB] =	sst s7  }
0x10: {  	[smem:$0x3FAC] =	sst s8  }
0x11: {  	[smem:$0x3FAD] =	sst s9;
	s0 =	simm.s32 @!p0 $0x0  }
0x12: {  	s1 =	sld [smem:$0x3F93];
	s0 =	simm.s32 @p0 $0x1  }
0x13: {  	[smem:$0x3FAE] =	sst s0;
	s0 =	simm.s32 @!p1 $0x0  }
0x14: {  	s2 =	sld [smem:$0x3F92];
	s0 =	simm.s32 @p1 $0x1  }
0x15: {  	[smem:$0x3FAF] =	sst s0;
	s0 =	simm.s32 @!p2 $0x0  }
0x16: {  	s3 =	sld [smem:$0x3FDB];
	s0 =	simm.s32 @p2 $0x1  }
0x17: {  	s4 =	simm.s32 $0x1BF5;
	[smem:$0x3FB1] =	sst s0  }
0x18: {  	s0 =	sld [smem:$0x3F94];
	_ =	swait.ge [sflag:s4], $0x0  }
0x19: {  	s7 =	sld [smem:$0x3F95]  }
0x1a: {  	s8 =	sadd.s32 $0xFFFFE003, lr  }
0x1b: {  	s9 =	sadd.s32 $0xFFFFFEF7, lr;
	s5 =	simm.s32 $0xFFFFFFFF;
	p2 =	slt.u32 s8, $0xFFFFF086  }
0x1c: {  	p1 =	slt.u32 s9, $0xF7A;
	s5 =	simm.s32 @!p2 $0x0  }
0x1d: {  	s5 =	simm.s32 @p1 $0x1;
	p0 =	seq.s32 s7, s2  }
0x1e: {  	s7 =	smul.u32 @!p0 $0xF7A, s2;
	p2 =	seq.s32 @!p0 s5, $0x0  }
0x1f: {  	s9 =	smul.u32 $0xF7A, s1;
	s8 =	simm.s32 @!p0 $0x1BF5;
	p2 =	por !p2, p0  }
0x20: {  	[sflag:s8] =	ssyncset.s32 @!p0 $0xFFFFF086;
	s6 =	sadd.s32 @!p0 s3, s7;
	s7 =	simm.s32 @!p0 $0x108  }
0x21: {  	s3 =	sadd.s32 s3, s9;
	s6 =	sadd.s32 @!p0 $0x88, s6;
	s7 =	simm.s32 @p2 $0x1082  }
0x22: {  	[simem:s7], [sflag:s8] =	dma.local @!p0 [hbm:s6], $0xF7A  }
0x23: {  	s9 =	sor.u32 $0xD0000000, s2;
	s6 =	simm.s32 $0x108;
	_ =	swait.ge @!p0 [sflag:s8], $0x0  }
0x24: {  	s3 =	sadd.s32 $0x88, s3;
	s6 =	simm.s32 @!p1 $0x1082;
	[sflag:s4] =	ssyncset.s32 $0xFFFFF086  }
0x25: {  	[simem:s6], [sflag:s4] =	dma.local [hbm:s3], $0xF7A  }
0x26: {  	[smem:$0x3F95] =	sst s1;
	(tag) =	ssettag s2;
	_ =	strace s9  }
0x27: {  	s1 =	sld [smem:$0x3FA5]  }
0x28: {  	s2 =	sld [smem:$0x3FA6]  }
0x29: {  	s4 =	sld [smem:$0x3FA8]  }
0x2a: {  	p0 =	seq.s32 s5, $0x0;
	s5 =	sld [smem:$0x3FA9]  }
0x2b: {  	s6 =	sld [smem:$0x3FAA]  }
0x2c: {  	s7 =	sld [smem:$0x3FAB]  }
0x2d: {  	s3 =	simm.s32 $0x108;
	s8 =	sld [smem:$0x3FAC]  }
0x2e: {  	s3 =	simm.s32 @!p0 $0x1082;
	s9 =	sld [smem:$0x3FAD]  }
0x2f: {  	lr =	sadd.s32 s0, s3;
	s0 =	sld [smem:$0x3FA4]  }
0x30: {  	s3 =	sld [smem:$0x3FA7]  }
0x31: {  	[smem:$0x3FB0] =	sst s10  }
0x32: {  	s10 =	sld [smem:$0x3FAE];
	_ =	sdelay $0x3  }
0x33: {  	p0 =	seq.s32 s10, $0x1;
	s10 =	sld [smem:$0x3FB0];
	_ =	sdelay $0x3  }
0x34: {  	[smem:$0x3FB0] =	sst s10  }
0x35: {  	s10 =	sld [smem:$0x3FAF];
	_ =	sdelay $0x3  }
0x36: {  	p1 =	seq.s32 s10, $0x1;
	s10 =	sld [smem:$0x3FB0];
	_ =	sdelay $0x3  }
0x37: {  	[smem:$0x3FB0] =	sst s10  }
0x38: {  	s10 =	sld [smem:$0x3FB1]  }
0x39: {  	_ = 	snop;
	(pc) =	sbr.ind lr, $3  }
0x3a: {  	_ = 	snop  }
0x3b: {  	_ = 	snop  }
0x3c: {  	p2 =	seq.s32 s10, $0x1;
	s10 =	sld [smem:$0x3FB0]  }
0x3d: {  	_ =	shalt  }
0x3e: {  	_ =	shalt  }
0x3f: {  	_ =	shalt  }
0x40: {  	_ =	shalt  }
0x41: {  	_ =	shalt  }
0x42: {  	_ =	shalt  }
0x43: {  	_ =	shalt  }
0x44: {  	_ =	shalt  }
0x45: {  	_ =	shalt  }
0x46: {  	_ =	shalt  }
0x47: {  	_ =	shalt  }
0x48: {  	_ =	shalt  }
0x49: {  	_ =	shalt  }
0x4a: {  	_ =	shalt  }
0x4b: {  	_ =	shalt  }
0x4c: {  	_ =	shalt  }
0x4d: {  	_ =	shalt  }
0x4e: {  	_ =	shalt  }
0x4f: {  	_ =	shalt  }
0x50: {  	_ =	shalt  }
0x51: {  	_ =	shalt  }
0x52: {  	_ =	shalt  }
0x53: {  	_ =	shalt  }
0x54: {  	_ =	shalt  }
0x55: {  	_ =	shalt  }
0x56: {  	_ =	shalt  }
0x57: {  	_ =	shalt  }
0x58: {  	_ =	shalt  }
0x59: {  	_ =	shalt  }
0x5a: {  	_ =	shalt  }
0x5b: {  	_ =	shalt  }
0x5c: {  	_ =	shalt  }
0x5d: {  	_ =	shalt  }
0x5e: {  	_ =	shalt  }
0x5f: {  	_ =	shalt  }
0x60: {  	_ =	shalt  }
0x61: {  	_ =	shalt  }
0x62: {  	_ =	shalt  }
0x63: {  	_ =	shalt  }
0x64: {  	_ =	shalt  }
0x65: {  	_ =	shalt  }
0x66: {  	_ =	shalt  }
0x67: {  	_ =	shalt  }
0x68: {  	_ =	shalt  }
0x69: {  	_ =	shalt  }
0x6a: {  	_ =	shalt  }
0x6b: {  	_ =	shalt  }
0x6c: {  	_ =	shalt  }
0x6d: {  	_ =	shalt  }
0x6e: {  	_ =	shalt  }
0x6f: {  	_ =	shalt  }
0x70: {  	_ =	shalt  }
0x71: {  	_ =	shalt  }
0x72: {  	_ =	shalt  }
0x73: {  	_ =	shalt  }
0x74: {  	_ =	shalt  }
0x75: {  	_ =	shalt  }
0x76: {  	_ =	shalt  }
0x77: {  	_ =	shalt  }
0x78: {  	_ =	shalt  }
0x79: {  	_ =	shalt  }
0x7a: {  	_ =	shalt  }
0x7b: {  	_ =	shalt  }
0x7c: {  	_ =	shalt  }
0x7d: {  	_ =	shalt  }
0x7e: {  	_ =	shalt  }
0x7f: {  	_ =	shalt  }
0x80: {  	_ =	shalt  }
0x81: {  	_ =	shalt  }
0x82: {  	_ =	shalt  }
0x83: {  	_ =	shalt  }
0x84: {  	_ =	shalt  }
0x85: {  	_ =	shalt  }
0x86: {  	_ =	shalt  }
0x87: {  	_ =	shalt  }
.Lfunc_end0:
.L_simem_size_0:
called_computation_lowered:
.L_overlay_start_0:
0x88: {  	s2 =	sld [smem:$0x3FD9]  }
0x89: {  	s3 =	sld [smem:$0x3FFE];
	_ =	sdelay $0x1  }
0x8a: {  	s1 =	srdreg.scid  }
0x8b: {  	s0 =	sand.u32 $0x1, s1  }
0x8c: {  	s17 =	sshll.u32 s0, $0xA;
	s2 =	sadd.s32 s3, s2  }
0x8d: {  	s2 =	sadd.s32 s2, s17  }
0x8e: {  	[smem:$0x3FBC] =	sst s2  }
0x8f: {  	_ = 	snop  }
0x90: {  	s2 =	sld [smem:$0x3FD0];
	(tm) =	ssettm $0x1  }
0x91: {  	s18 =	sld [smem:$0x3FFB];
	_ =	sdelay $0x3  }
0x92: {  	_ =	strace s18  }
0x93: {  	s3 =	sld [smem:$0x3FFC];
	_ =	sdelay $0x3  }
0x94: {  	_ =	strace s3  }
0x95: {  	s3 =	sld [smem:$0x3FFD];
	_ =	sdelay $0x3  }
0x96: {  	_ =	strace s3  }
0x97: {  	_ =	strace $0x8FFFFFFF  }
0x98: {  	s19 =	sld [smem:$0x3FDB];
	_ =	sdelay $0x1  }
0x99: {  	s4 =	simm.s32 $_scs_section_size  }
0x9a: {  	s5 =	simm.s32 $_size__tile_overlayer_lowered;
	s6 =	simm.s32 $_tile_overlayer_lowered  }
0x9b: {  	s22 =	simm.s32 $0x1BFF;
	s21 =	sshll.u32 s6, $0x1;
	s3 =	sadd.s32 s4, s19  }
0x9c: {  	s7 =	simm.s32 $0x0;
	s20 =	sshll.u32 s5, $0x1;
	s5 =	sadd.s32 s21, s3  }
0x9d: {  	[timem:s7], [sflag:s22] =	dma.local [hbm:s5], s20  }
0x9e: {  	_ =	swait.ge [sflag:s22], s20  }
0x9f: {  	s4 =	ssub.s32 $0x0, s20;
	[sflag:s22] =	ssyncset.done $0x0  }
0xa0: {  	[sflag:s22] =	ssyncadd.s32 s4;
	_ =	sdelay $0x1  }
0xa1: {  	s23 =	simm.s32 $0x1B8B  }
0xa2: {  	_ =	swait.ge [sflag:s23], $0x1  }
0xa3: {  	[sflag:s23] =	ssyncset.done $0x0  }
0xa4: {  	s25 =	simm.s32 $0x1B8E;
	s24 =	sld [smem:$0x3FFE];
	[sflag:s23] =	ssyncadd.s32 $0xFFFFFFFF  }
0xa5: {  	s26 =	simm.s32 $execute0_lowered;
	[smem:$0x3FD2] =	sst s25  }
0xa6: {  	s5 =	sshll.u32 s26, $0x1;
	_ =	strace $0x80000046;
	[dreg:$0x1] =	wrdreg $0xFFFFFFFF  }
0xa7: {  	s28 =	simm.s32 $_size_execute0_lowered;
	s3 =	sadd.s32 s3, s5;
	[dreg:$0x0] =	wrdreg $0x0  }
0xa8: {  	s5 =	sshll.u32 s28, $0x1;
	[dreg:$0x2] =	wrdreg s3  }
0xa9: {  	[dreg:$0x3] =	wrdreg s5  }
0xaa: {  	[dreg:$0x4] =	wrdreg $0xC0  }
0xab: {  	_ =	task [dreg:s7], $0x5FFFF  }
0xac: {  	[dreg:$0x1] =	wrdreg $0xFFFFFFFF  }
0xad: {  	[dreg:$0x0] =	wrdreg $0x60  }
0xae: {  	[dreg:$0x2] =	wrdreg s2  }
0xaf: {  	[dreg:$0x3] =	wrdreg s24  }
0xb0: {  	[dreg:$0x4] =	wrdreg $0x9  }
0xb1: {  	_ =	task.clear_ibuf [dreg:s7], $0x5FFFF;
	_ =	strace $0x90000046  }
0xb2: {  	s29 =	simm.s32 $0x9;
	_ =	strace $0x80000048  }
0xb3: {  	_ =	swait.ge [sflag:s29], $0x1  }
0xb4: {  	[sflag:s29] =	ssyncadd.s32 $0xFFFFFFFF  }
0xb5: {  	_ =	strace $0x90000048  }
0xb6: {  	_ =	sfence  }
0xb7: {  	s30 =	sld [smem:$0x0];
	_ =	sdelay $0x2  }
0xb8: {  	s31 =	sshll.u32 s1, $0xD;
	s1 =	sshrl.u32 s1, $0x2  }
0xb9: {  	s3 =	sand.u32 $0x4000, s31;
	s1 =	sadd.s32 s1, s30  }
0xba: {  	s0 =	sor.u32 s3, s0;
	s1 =	sshll.u32 s1, $0x11  }
0xbb: {  	s0 =	sor.u32 s1, s0  }
0xbc: {  	s0 =	sadd.s32 $0x8F2B, s0  }
0xbd: {  	[sflag:s0] =	ssyncadd.remote.s32 $0x1  }
0xbe: {  	_ =	sfence.sel $0xFFFF  }
0xbf: {  	[dreg:$0x0] =	wrdreg $0xFFFFFFFF;
	(pc) =	sbr.abs _section_cstart, $3  }
0xc0: {  	[dreg:$0x1] =	wrdreg $0xFFFFFFFF  }
0xc1: {  	_ =	task.clear_ibuf [dreg:s7], $0x2FFFF;
	_ =	strace $0x9FFFFFFF  }
0xc2: {  	(tm) =	ssettm $0x7FFFFFFF  }
0xc3: {  	_ =	shalt  }
tec
execute0_lowered:
.L_overlay_start_1:
0x0: {  	(tag) =	ssettag $0x1  }
0x1: {  	s1 =	srdreg.scid;
	s0 =	stileid.u32  }
0x2: {  	s2 =	rddreg [dreg:$0x0];
	s6 =	sand.u32 $0x1, s1;
	s30 =	sshll.u32 s0, $0x1  }
0x3: {  	s8 =	rddreg [dreg:$0x1];
	s7 =	sor.u32 s6, s30  }
0x4: {  	s3 =	simm.s32 $0x0;
	s1 =	rddreg [dreg:$0x2];
	s4 =	smul.u32 $0x210, s7  }
0x5: {  	[smem:$0x7FF] =	sst s3  }
0x6: {  	_ =	strace $0x80000047;
	s10 =	ssub.s32 $0x2, s6;
	s4 =	sadd.s32 s4, s8  }
0x7: {  	s6 =	simm.s32 $0x1080;
	s5 =	sadd.s32 $0x1C00, s4;
	s4 =	simm.s32 $0x2  }
0x8: {  	[tilespmem:s3], [sflag:$0x2] =	stream.linear.gather [hbm4b:s5+s3], $0x1080, $0x38;
	[tilespmem:$0x11880] =	vst v63  }
0x9: {  	s9 =	smul.u32 $0x2100, s7;
	s11 =	sshrl.u32 s10, $0x1;
	_ =	swait.ge [sflag:s4], $0x1080  }
0xa: {  	s7 =	simm.s32 $0x1;
	s31 =	ssub.s32 s10, s11;
	[sflag:s4] =	ssyncset.done $0x0  }
0xb: {  	s8 =	sadd.s32 s9, s8;
	s9 =	smax.u32 s31, $0x1;
	[sflag:s4] =	ssyncadd.s32 $0xFFFFEF80  }
0xc: {  	[tilespmem:s6], [sflag:$0x1] =	stream.indirect.gather [hbm4b:s2+s6], $0x10, s3, s6, $0xb8;
	[tilespmem:$0x11880] =	vst v63  }
0xd: {  	p0 =	sne.s32 s9, $0x1;
	_ =	swait.ge [sflag:s7], $0x10800  }
.Ltmp0:
0xe: {  	[sflag:s7] =	ssyncset.done $0x0;
	(pc) =	sbr.rel @!p0 .LBB2_2-.Ltmp0, $4  }
0xf: {  	s8 =	sadd.s32 $0x5E00, s8;
	[sflag:s7] =	ssyncadd.s32 $0xFFFEF800  }
0x10: {  	[hbm4b:s8+s3] =	stream.linear.scatter [tilespmem:s6], [sflag:$0x2], $0x10800, $0x38;
	[tilespmem:$0x11880] =	vst v63  }
0x11: {  	_ =	swait.ge [sflag:s4], $0x10800  }
0x12: {  	s9 =	sadd.s32 $0xFFFFFFFF, s9;
	[sflag:s4] =	ssyncset.done $0x0  }
.LBB2_1:
0x13: {  	p0 =	sne.s32 s9, $0x1;
	s9 =	sadd.s32 $0xFFFFFFFF, s9;
	[sflag:s4] =	ssyncadd.s32 $0xFFFEF800  }
0x14: {  	[tilespmem:s3], [sflag:$0x2] =	stream.linear.gather [hbm4b:s5+s3], $0x1080, $0x38;
	[tilespmem:$0x11880] =	vst v63  }
0x15: {  	_ =	swait.ge [sflag:s4], $0x1080  }
0x16: {  	[sflag:s4] =	ssyncset.done $0x0  }
0x17: {  	[sflag:s4] =	ssyncadd.s32 $0xFFFFEF80  }
0x18: {  	[tilespmem:s6], [sflag:$0x1] =	stream.indirect.gather [hbm4b:s2+s6], $0x10, s3, s6, $0xb8;
	[tilespmem:$0x11880] =	vst v63  }
0x19: {  	_ =	swait.ge [sflag:s7], $0x10800  }
.Ltmp1:
0x1a: {  	[sflag:s7] =	ssyncset.done $0x0;
	(pc) =	sbr.rel @p0 .LBB2_1-.Ltmp1, $4  }
0x1b: {  	[sflag:s7] =	ssyncadd.s32 $0xFFFEF800  }
0x1c: {  	[hbm4b:s8+s3] =	stream.linear.scatter [tilespmem:s6], [sflag:$0x2], $0x10800, $0x38;
	[tilespmem:$0x11880] =	vst v63  }
0x1d: {  	_ =	swait.ge [sflag:s4], $0x10800  }
0x1e: {  	[sflag:s4] =	ssyncset.done $0x0  }
.LBB2_2:
0x1f: {  	[sflag:s4] =	ssyncadd.s32 $0xFFFEF800  }
0x20: {  	_ =	sfence.sel $0x180000  }
0x21: {  	[bflag:$0x0] =	sbarrier.arrive $0xFFFF  }
0x22: {  	p0 =	sne.s32 s0, $0x0;
	_ =	strace $0x90000047  }
0x23: {  	s0 =	sadd.s32 @!p0 $0x100000, s1;
	[bflag:$0x2] =	sbarrier.arrive $0xFFFF  }
0x24: {  	[sflag:s0] =	ssyncadd.tile.s32 @!p0 $0x1;
	_ =	shalt  }
.Lfunc_end2:
_tile_overlayer_lowered:
.L_overlay_start_2:
0x25: {  	(tag) =	ssettag $0x2  }
0x26: {  	s0 =	rddreg [dreg:$0x0];
	s2 =	stileid.u32  }
0x27: {  	s1 =	rddreg [dreg:$0x1];
	p0 =	sne.s32 s2, $0x0  }
0x28: {  	s3 =	rddreg [dreg:$0x2];
	[bflag:$0x3] =	sbarrier.arrive $0xFFFF;
	s2 =	simm.s32 @!p0 $0x1C02  }
0x29: {  	[timem:s3], [sflag:s2] =	dma.local @!p0 [hbm:s0], s1  }
0x2a: {  	s0 =	simm.s32 @!p0 $0x2  }
0x2b: {  	_ =	swait.ge @!p0 [sflag:s0], s1  }
0x2c: {  	s1 =	ssub.s32 @!p0 $0x0, s1;
	[sflag:s0] =	ssyncset.done @!p0 $0x0  }
0x2d: {  	[sflag:s0] =	ssyncadd.s32 @!p0 s1  }
0x2e: {  	[bflag:$0x3] =	sbarrier.arrive $0xFFFF  }
0x2f: {  	_ =	shalt  }

</sc_bundles>
